<compile_context>
chip_gen: v7x
topology: tpu7x:2x2x1
jax: 0.10.2.dev20260603
libtpu: 0.0.44.dev20260713+nightly
codegen_flags: <defaults>
</compile_context>

<pallas_src>
import functools

import jax
import jax.numpy as jnp
from jax import lax
from jax.experimental import pallas as pl
from jax.experimental.pallas import tpu as pltpu
from jax.experimental.pallas import tpu_sc as plsc

B, C, H, W = 4, 96, 384, 384
L = 16
NC, NS = 2, 16
NW = NC * NS
HB = H // (NW // B)
NSTRIP = H // HB
WIN = HB + 2
VPR = W // L
NV = HB * VPR
STRIP = HB * W
WINE = WIN * W


def _body(x_hbm, dh_hbm, dw_hbm, out_hbm, dhbuf, dwbuf, xbuf, obuf):
    wid = lax.axis_index("s") * NC + lax.axis_index("c")
    b = wid // NSTRIP
    hb = wid % NSTRIP
    h0 = hb * HB
    row_lo = jnp.clip(h0 - 1, 0, H - WIN)

    pltpu.sync_copy(dh_hbm.at[b, pl.ds(h0 * W, STRIP)], dhbuf)
    pltpu.sync_copy(dw_hbm.at[b, pl.ds(h0 * W, STRIP)], dwbuf)

    iota = lax.iota(jnp.int32, L)

    def idx_row(h, _):
        habs = h0 + h

        def idx_col(wb, _):
            i = h * VPR + wb
            sl = pl.ds(i * L, L)
            row = habs + dhbuf[sl]
            row = jnp.where(row < 0, 1, row)
            row = jnp.where(row > H - 1, H - 2, row)
            col = wb * L + iota + dwbuf[sl]
            col = jnp.where(col < 0, 1, col)
            col = jnp.where(col > W - 1, W - 2, col)
            dhbuf[sl] = (row - row_lo) * W + col
            return 0

        return lax.fori_loop(0, VPR, idx_col, 0, unroll=4)

    lax.fori_loop(0, HB, idx_row, 0)

    def per_channel(c, _):
        bc = b * C + c
        pltpu.sync_copy(x_hbm.at[bc, pl.ds(row_lo * W, WINE)], xbuf)

        def gather(i, _):
            sl = pl.ds(i * L, L)
            obuf[sl] = plsc.load_gather(xbuf, [dhbuf[sl]])
            return 0

        lax.fori_loop(0, NV, gather, 0, unroll=4)
        pltpu.sync_copy(obuf, out_hbm.at[bc, pl.ds(h0 * W, STRIP)])
        return 0

    lax.fori_loop(0, C, per_channel, 0)


@jax.jit
def kernel(x):
    kh = jax.random.fold_in(jax.random.key(0), 1)
    kw = jax.random.fold_in(jax.random.key(0), 2)
    dh = jax.random.randint(kh, (B, 1, H, W), -1, 2)
    dw = jax.random.randint(kw, (B, 1, H, W), -1, 2)
    dh2 = dh.reshape(B, H * W).astype(jnp.int32)
    dw2 = dw.reshape(B, H * W).astype(jnp.int32)
    x2 = x.reshape(B * C, H * W)

    run = functools.partial(
        pl.kernel,
        mesh=plsc.VectorSubcoreMesh(core_axis_name="c", subcore_axis_name="s"),
        out_type=jax.ShapeDtypeStruct((B * C, H * W), jnp.float32),
        scratch_types=[
            pltpu.VMEM((STRIP,), jnp.int32),
            pltpu.VMEM((STRIP,), jnp.int32),
            pltpu.VMEM((WINE,), jnp.float32),
            pltpu.VMEM((STRIP,), jnp.float32),
        ],
        compiler_params=pltpu.CompilerParams(needs_layout_passes=False),
    )(_body)
    out = run(x2, dh2, dw2)
    return out.reshape(B, C, H, W)

# --- scband reference (transcript-rebuilt; emitter-appended) ---
"""Pipeline reference for scband-random-pool2d-37409165148347 (READ-ONLY COPY).

The authoritative reference and input builder live on the scoring server;
editing this copy changes nothing except your own understanding.
"""

import jax, jax.numpy as jnp
import numpy as np

KERNEL_SIZE = 3
STRIDE = 1
PADDING = 1  # quadruple -> (pl, pr, pt, pb) = (1, 1, 1, 1)


def setup_inputs(seed: int = 0) -> dict:
    key = jax.random.key(seed)
    x = jax.random.normal(key, (4, 96, 384, 384), dtype=jnp.float32)
    return {"x": x}


def reference(x):
    # RandomPool2d.forward: reflect-pad, then for each (b, h, w) pick a random
    # offset in [-gap, gap] along h (gap=pt) and w (gap=pl), shared across channels,
    # and gather that pixel from the padded tensor. No mask (mask=None).
    pl = pr = pt = pb = PADDING
    B, C, H, W = x.shape
    kh = jax.random.fold_in(jax.random.key(0), 1)
    kw = jax.random.fold_in(jax.random.key(0), 2)
    # torch.randint(-gap, gap + 1, (B, H, W)) -- shared across C (repeat over C)
    dh = jax.random.randint(kh, (B, 1, H, W), -pt, pt + 1)
    dw = jax.random.randint(kw, (B, 1, H, W), -pl, pl + 1)
    padded = jnp.pad(x, ((0, 0), (0, 0), (pt, pb), (pl, pr)), mode="reflect")
    # idx_h = arange(H)[:, None] + gap + dh ; idx_w = arange(W) + gap + dw
    row = jnp.arange(H)[None, None, :, None] + pt + dh  # (B, 1, H, W)
    col = jnp.arange(W)[None, None, None, :] + pl + dw  # (B, 1, H, W)
    b_idx = jnp.arange(B)[:, None, None, None]
    c_idx = jnp.arange(C)[None, :, None, None]
    out = padded[b_idx, c_idx, row, col]  # broadcast -> (B, C, H, W)
    return out

if __name__ == "__main__":
    import jax
    _d = setup_inputs()
    print(jax.jit(kernel)(*tuple(_d.values())))

</pallas_src>

<mosaic_0001>
#map = affine_map<(d0, d1) -> (0, 0)>
module attributes {stable_mosaic.version = 14 : i64} {
  func.func @_body(%arg0: i32, %arg1: i32, %arg2: memref<384x147456xf32, #tpu.memory_space<hbm>>, %arg3: memref<4x147456xi32, #tpu.memory_space<hbm>>, %arg4: memref<4x147456xi32, #tpu.memory_space<hbm>>, %arg5: memref<384x147456xf32, #tpu.memory_space<hbm>>, %arg6: memref<18432xi32, #tpu.memory_space<vmem>>, %arg7: memref<18432xi32, #tpu.memory_space<vmem>>, %arg8: memref<19200xf32, #tpu.memory_space<vmem>>, %arg9: memref<18432xf32, #tpu.memory_space<vmem>>) attributes {dimension_semantics = [#tpu.dimension_semantics<core_parallel>, #tpu.dimension_semantics<subcore_parallel>], iteration_bounds = array<i64: 2, 16>, scalar_prefetch = 0 : i64, scratch_operands = 4 : i64, tpu.core_type = #tpu.core_type<sc_vector_subcore>, window_params = [{transform_indices = #map}, {transform_indices = #map}, {transform_indices = #map}, {transform_indices = #map}]} {
    %mul3A = arith.constant 2 : i32
    %mul3A_0 = arith.muli %arg1, %mul3A : i32
    %add3A = arith.addi %mul3A_0, %arg0 : i32
    %jit3A = arith.constant 8 : i32
    %div3A = arith.divsi %add3A, %jit3A : i32
    %sign3A = arith.constant 0 : i32
    %sign3A_1 = arith.cmpi sgt, %add3A, %sign3A : i32
    %sign3A_2 = arith.extui %sign3A_1 : i1 to i32
    %sign3A_3 = arith.constant 0 : i32
    %sign3A_4 = arith.cmpi slt, %add3A, %sign3A_3 : i32
    %sign3A_5 = arith.extui %sign3A_4 : i1 to i32
    %sign3A_6 = arith.subi %sign3A_2, %sign3A_5 : i32
    %sign3A_7 = arith.constant 0 : i32
    %sign3A_8 = arith.cmpi sgt, %jit3A, %sign3A_7 : i32
    %sign3A_9 = arith.extui %sign3A_8 : i1 to i32
    %sign3A_10 = arith.constant 0 : i32
    %sign3A_11 = arith.cmpi slt, %jit3A, %sign3A_10 : i32
    %sign3A_12 = arith.extui %sign3A_11 : i1 to i32
    %sign3A_13 = arith.subi %sign3A_9, %sign3A_12 : i32
    %ne3A = arith.cmpi ne, %sign3A_6, %sign3A_13 : i32
    %rem3A = arith.remsi %add3A, %jit3A : i32
    %ne3A_14 = arith.constant 0 : i32
    %ne3A_15 = arith.cmpi ne, %rem3A, %ne3A_14 : i32
    %and3A = arith.andi %ne3A, %ne3A_15 : i1
    %sub3A = arith.constant 1 : i32
    %sub3A_16 = arith.subi %div3A, %sub3A : i32
    %select_n3A = arith.select %and3A, %sub3A_16, %div3A : i32
    %jit3A_17 = arith.constant 8 : i32
    %eq3A = arith.constant 0 : i32
    %eq3A_18 = arith.cmpi eq, %jit3A_17, %eq3A : i32
    %jit3A_19 = arith.constant 1 : i32
    %select_n3A_20 = arith.select %eq3A_18, %jit3A_19, %jit3A_17 : i32
    %rem3A_21 = arith.remsi %add3A, %select_n3A_20 : i32
    %ne3A_22 = arith.constant 0 : i32
    %ne3A_23 = arith.cmpi ne, %rem3A_21, %ne3A_22 : i32
    %lt3A = arith.constant 0 : i32
    %lt3A_24 = arith.cmpi slt, %rem3A_21, %lt3A : i32
    %lt3A_25 = arith.constant 0 : i32
    %lt3A_26 = arith.cmpi slt, %select_n3A_20, %lt3A_25 : i32
    %ne3A_27 = arith.xori %lt3A_24, %lt3A_26 : i1
    %and3A_28 = arith.andi %ne3A_27, %ne3A_23 : i1
    %add3A_29 = arith.addi %rem3A_21, %select_n3A_20 : i32
    %select_n3A_30 = arith.select %and3A_28, %add3A_29, %rem3A_21 : i32
    %mul3A_31 = arith.constant 48 : i32
    %mul3A_32 = arith.muli %select_n3A_30, %mul3A_31 : i32
    %sub3A_33 = arith.constant 1 : i32
    %sub3A_34 = arith.subi %mul3A_32, %sub3A_33 : i32
    %jit3A_35 = arith.constant 0 : i32
    %jit3A_36 = arith.constant 334 : i32
    %max3A = arith.maxsi %jit3A_35, %sub3A_34 : i32
    %min3A = arith.minsi %jit3A_36, %max3A : i32
    %mul3A_37 = arith.constant 384 : i32
    %mul3A_38 = arith.muli %mul3A_32, %mul3A_37 : i32
    "tpu.region"() ({
      %run_scoped3A = tpu.sem_alloc : memref<!tpu.dma_semaphore, #tpu.memory_space<semaphore_mem>>
      %dma_start3A = tpu.memref_slice %arg3[%select_n3A, %mul3A_38] : memref<4x147456xi32, #tpu.memory_space<hbm>> -> memref<1x18432xi32, #tpu.memory_space<hbm>>
      %dma_start3A_54 = tpu.memref_squeeze %dma_start3A : memref<1x18432xi32, #tpu.memory_space<hbm>> -> memref<18432xi32, #tpu.memory_space<hbm>>
      %dma_start3A_55 = tpu.memref_slice %arg3[%select_n3A, %mul3A_38] : memref<4x147456xi32, #tpu.memory_space<hbm>> -> memref<1x18432xi32, #tpu.memory_space<hbm>>
      %dma_start3A_56 = tpu.memref_squeeze %dma_start3A_55 : memref<1x18432xi32, #tpu.memory_space<hbm>> -> memref<18432xi32, #tpu.memory_space<hbm>>
      tpu.enqueue_dma source(%dma_start3A_56 : memref<18432xi32, #tpu.memory_space<hbm>>) target(%arg6 : memref<18432xi32, #tpu.memory_space<vmem>>) target_semaphore(%run_scoped3A : memref<!tpu.dma_semaphore, #tpu.memory_space<semaphore_mem>>)
      %dma_wait3A = tpu.memref_slice %arg3[%select_n3A, %mul3A_38] : memref<4x147456xi32, #tpu.memory_space<hbm>> -> memref<1x18432xi32, #tpu.memory_space<hbm>>
      %dma_wait3A_57 = tpu.memref_squeeze %dma_wait3A : memref<1x18432xi32, #tpu.memory_space<hbm>> -> memref<18432xi32, #tpu.memory_space<hbm>>
      %dma_wait3A_58 = tpu.memref_slice %arg3[%select_n3A, %mul3A_38] : memref<4x147456xi32, #tpu.memory_space<hbm>> -> memref<1x18432xi32, #tpu.memory_space<hbm>>
      %dma_wait3A_59 = tpu.memref_squeeze %dma_wait3A_58 : memref<1x18432xi32, #tpu.memory_space<hbm>> -> memref<18432xi32, #tpu.memory_space<hbm>>
      tpu.wait_dma2 semaphore(%run_scoped3A : memref<!tpu.dma_semaphore, #tpu.memory_space<semaphore_mem>>) src(%dma_wait3A_59 : memref<18432xi32, #tpu.memory_space<hbm>>) dst(%arg6 : memref<18432xi32, #tpu.memory_space<vmem>>)
      tpu.yield
    }) : () -> ()
    %mul3A_39 = arith.constant 384 : i32
    %mul3A_40 = arith.muli %mul3A_32, %mul3A_39 : i32
    "tpu.region"() ({
      %run_scoped3A = tpu.sem_alloc : memref<!tpu.dma_semaphore, #tpu.memory_space<semaphore_mem>>
      %dma_start3A = tpu.memref_slice %arg4[%select_n3A, %mul3A_40] : memref<4x147456xi32, #tpu.memory_space<hbm>> -> memref<1x18432xi32, #tpu.memory_space<hbm>>
      %dma_start3A_54 = tpu.memref_squeeze %dma_start3A : memref<1x18432xi32, #tpu.memory_space<hbm>> -> memref<18432xi32, #tpu.memory_space<hbm>>
      %dma_start3A_55 = tpu.memref_slice %arg4[%select_n3A, %mul3A_40] : memref<4x147456xi32, #tpu.memory_space<hbm>> -> memref<1x18432xi32, #tpu.memory_space<hbm>>
      %dma_start3A_56 = tpu.memref_squeeze %dma_start3A_55 : memref<1x18432xi32, #tpu.memory_space<hbm>> -> memref<18432xi32, #tpu.memory_space<hbm>>
      tpu.enqueue_dma source(%dma_start3A_56 : memref<18432xi32, #tpu.memory_space<hbm>>) target(%arg7 : memref<18432xi32, #tpu.memory_space<vmem>>) target_semaphore(%run_scoped3A : memref<!tpu.dma_semaphore, #tpu.memory_space<semaphore_mem>>)
      %dma_wait3A = tpu.memref_slice %arg4[%select_n3A, %mul3A_40] : memref<4x147456xi32, #tpu.memory_space<hbm>> -> memref<1x18432xi32, #tpu.memory_space<hbm>>
      %dma_wait3A_57 = tpu.memref_squeeze %dma_wait3A : memref<1x18432xi32, #tpu.memory_space<hbm>> -> memref<18432xi32, #tpu.memory_space<hbm>>
      %dma_wait3A_58 = tpu.memref_slice %arg4[%select_n3A, %mul3A_40] : memref<4x147456xi32, #tpu.memory_space<hbm>> -> memref<1x18432xi32, #tpu.memory_space<hbm>>
      %dma_wait3A_59 = tpu.memref_squeeze %dma_wait3A_58 : memref<1x18432xi32, #tpu.memory_space<hbm>> -> memref<18432xi32, #tpu.memory_space<hbm>>
      tpu.wait_dma2 semaphore(%run_scoped3A : memref<!tpu.dma_semaphore, #tpu.memory_space<semaphore_mem>>) src(%dma_wait3A_59 : memref<18432xi32, #tpu.memory_space<hbm>>) dst(%arg7 : memref<18432xi32, #tpu.memory_space<vmem>>)
      tpu.yield
    }) : () -> ()
    %iota3A = tpu.iota {dimensions = array<i32: 0>} : vector<16xi32>
    %scan3A = arith.constant 0 : i32
    %scan3A_41 = arith.constant 0 : i32
    %scan3A_42 = arith.constant 48 : i32
    %scan3A_43 = arith.addi %scan3A_41, %scan3A_42 : i32
    %scan3A_44 = arith.constant 1 : i32
    %scan3A_45 = scf.for %scan3A_54 = %scan3A_41 to %scan3A_43 step %scan3A_44 iter_args(%scan3A_55 = %scan3A) -> (i32)  : i32 {
      %add3A_56 = arith.addi %mul3A_32, %scan3A_54 : i32
      %scan3A_57 = arith.constant 0 : i32
      %scan3A_58 = arith.constant 0 : i32
      %scan3A_59 = arith.constant 24 : i32
      %scan3A_60 = arith.addi %scan3A_58, %scan3A_59 : i32
      %scan3A_61 = arith.constant 4 : i32
      %scan3A_62 = scf.for %scan3A_64 = %scan3A_58 to %scan3A_60 step %scan3A_61 iter_args(%scan3A_65 = %scan3A_57) -> (i32)  : i32 {
        %mul3A_66 = arith.constant 24 : i32
        %mul3A_67 = arith.muli %scan3A_54, %mul3A_66 : i32
        %add3A_68 = arith.addi %mul3A_67, %scan3A_64 : i32
        %mul3A_69 = arith.constant 16 : i32
        %mul3A_70 = arith.muli %add3A_68, %mul3A_69 : i32
        %get3A = arith.index_cast %mul3A_70 : i32 to index
        %get3A_71 = tpu.vector_load %arg6[%get3A] {strides = array<i32>} : memref<18432xi32, #tpu.memory_space<vmem>>, vector<16xi32>,
        %add3A_72 = vector.broadcast %add3A_56 : i32 to vector<16xi32>
        %add3A_73 = arith.addi %add3A_72, %get3A_71 : vector<16xi32>
        %lt3A_74 = arith.constant 0 : i32
        %lt3A_75 = vector.broadcast %lt3A_74 : i32 to vector<16xi32>
        %lt3A_76 = arith.cmpi slt, %add3A_73, %lt3A_75 : vector<16xi32>
        %jit3A_77 = arith.constant 1 : i32
        %broadcast_in_dim3A = vector.broadcast %jit3A_77 : i32 to vector<16xi32>
        %select_n3A_78 = arith.select %lt3A_76, %broadcast_in_dim3A, %add3A_73 : vector<16xi1>, vector<16xi32>
        %gt3A = arith.constant 383 : i32
        %gt3A_79 = vector.broadcast %gt3A : i32 to vector<16xi32>
        %gt3A_80 = arith.cmpi sgt, %select_n3A_78, %gt3A_79 : vector<16xi32>
        %jit3A_81 = arith.constant 382 : i32
        %broadcast_in_dim3A_82 = vector.broadcast %jit3A_81 : i32 to vector<16xi32>
        %select_n3A_83 = arith.select %gt3A_80, %broadcast_in_dim3A_82, %select_n3A_78 : vector<16xi1>, vector<16xi32>
        %mul3A_84 = arith.constant 16 : i32
        %mul3A_85 = arith.muli %scan3A_64, %mul3A_84 : i32
        %add3A_86 = vector.broadcast %mul3A_85 : i32 to vector<16xi32>
        %add3A_87 = arith.addi %add3A_86, %iota3A : vector<16xi32>
        %get3A_88 = arith.index_cast %mul3A_70 : i32 to index
        %get3A_89 = tpu.vector_load %arg7[%get3A_88] {strides = array<i32>} : memref<18432xi32, #tpu.memory_space<vmem>>, vector<16xi32>,
        %add3A_90 = arith.addi %add3A_87, %get3A_89 : vector<16xi32>
        %lt3A_91 = arith.constant 0 : i32
        %lt3A_92 = vector.broadcast %lt3A_91 : i32 to vector<16xi32>
        %lt3A_93 = arith.cmpi slt, %add3A_90, %lt3A_92 : vector<16xi32>
        %jit3A_94 = arith.constant 1 : i32
        %broadcast_in_dim3A_95 = vector.broadcast %jit3A_94 : i32 to vector<16xi32>
        %select_n3A_96 = arith.select %lt3A_93, %broadcast_in_dim3A_95, %add3A_90 : vector<16xi1>, vector<16xi32>
        %gt3A_97 = arith.constant 383 : i32
        %gt3A_98 = vector.broadcast %gt3A_97 : i32 to vector<16xi32>
        %gt3A_99 = arith.cmpi sgt, %select_n3A_96, %gt3A_98 : vector<16xi32>
        %jit3A_100 = arith.constant 382 : i32
        %broadcast_in_dim3A_101 = vector.broadcast %jit3A_100 : i32 to vector<16xi32>
        %select_n3A_102 = arith.select %gt3A_99, %broadcast_in_dim3A_101, %select_n3A_96 : vector<16xi1>, vector<16xi32>
        %sub3A_103 = vector.broadcast %min3A : i32 to vector<16xi32>
        %sub3A_104 = arith.subi %select_n3A_83, %sub3A_103 : vector<16xi32>
        %mul3A_105 = arith.constant 384 : i32
        %mul3A_106 = vector.broadcast %mul3A_105 : i32 to vector<16xi32>
        %mul3A_107 = arith.muli %sub3A_104, %mul3A_106 : vector<16xi32>
        %add3A_108 = arith.addi %mul3A_107, %select_n3A_102 : vector<16xi32>
        %swap3A = arith.index_cast %mul3A_70 : i32 to index
        %swap3A_109 = tpu.vector_load %arg6[%swap3A] {strides = array<i32>} : memref<18432xi32, #tpu.memory_space<vmem>>, vector<16xi32>,
        tpu.vector_store %arg6[%swap3A], %add3A_108 {strides = array<i32>} : memref<18432xi32, #tpu.memory_space<vmem>>, vector<16xi32>,
        %scan3A_110 = arith.constant 0 : i32
        %scan3A_111 = arith.constant 1 : i32
        %scan3A_112 = arith.addi %scan3A_64, %scan3A_111 : i32
        %mul3A_113 = arith.constant 24 : i32
        %mul3A_114 = arith.muli %scan3A_54, %mul3A_113 : i32
        %add3A_115 = arith.addi %mul3A_114, %scan3A_112 : i32
        %mul3A_116 = arith.constant 16 : i32
        %mul3A_117 = arith.muli %add3A_115, %mul3A_116 : i32
        %get3A_118 = arith.index_cast %mul3A_117 : i32 to index
        %get3A_119 = tpu.vector_load %arg6[%get3A_118] {strides = array<i32>} : memref<18432xi32, #tpu.memory_space<vmem>>, vector<16xi32>,
        %add3A_120 = vector.broadcast %add3A_56 : i32 to vector<16xi32>
        %add3A_121 = arith.addi %add3A_120, %get3A_119 : vector<16xi32>
        %lt3A_122 = arith.constant 0 : i32
        %lt3A_123 = vector.broadcast %lt3A_122 : i32 to vector<16xi32>
        %lt3A_124 = arith.cmpi slt, %add3A_121, %lt3A_123 : vector<16xi32>
        %jit3A_125 = arith.constant 1 : i32
        %broadcast_in_dim3A_126 = vector.broadcast %jit3A_125 : i32 to vector<16xi32>
        %select_n3A_127 = arith.select %lt3A_124, %broadcast_in_dim3A_126, %add3A_121 : vector<16xi1>, vector<16xi32>
        %gt3A_128 = arith.constant 383 : i32
        %gt3A_129 = vector.broadcast %gt3A_128 : i32 to vector<16xi32>
        %gt3A_130 = arith.cmpi sgt, %select_n3A_127, %gt3A_129 : vector<16xi32>
        %jit3A_131 = arith.constant 382 : i32
        %broadcast_in_dim3A_132 = vector.broadcast %jit3A_131 : i32 to vector<16xi32>
        %select_n3A_133 = arith.select %gt3A_130, %broadcast_in_dim3A_132, %select_n3A_127 : vector<16xi1>, vector<16xi32>
        %mul3A_134 = arith.constant 16 : i32
        %mul3A_135 = arith.muli %scan3A_112, %mul3A_134 : i32
        %add3A_136 = vector.broadcast %mul3A_135 : i32 to vector<16xi32>
        %add3A_137 = arith.addi %add3A_136, %iota3A : vector<16xi32>
        %get3A_138 = arith.index_cast %mul3A_117 : i32 to index
        %get3A_139 = tpu.vector_load %arg7[%get3A_138] {strides = array<i32>} : memref<18432xi32, #tpu.memory_space<vmem>>, vector<16xi32>,
        %add3A_140 = arith.addi %add3A_137, %get3A_139 : vector<16xi32>
        %lt3A_141 = arith.constant 0 : i32
        %lt3A_142 = vector.broadcast %lt3A_141 : i32 to vector<16xi32>
        %lt3A_143 = arith.cmpi slt, %add3A_140, %lt3A_142 : vector<16xi32>
        %jit3A_144 = arith.constant 1 : i32
        %broadcast_in_dim3A_145 = vector.broadcast %jit3A_144 : i32 to vector<16xi32>
        %select_n3A_146 = arith.select %lt3A_143, %broadcast_in_dim3A_145, %add3A_140 : vector<16xi1>, vector<16xi32>
        %gt3A_147 = arith.constant 383 : i32
        %gt3A_148 = vector.broadcast %gt3A_147 : i32 to vector<16xi32>
        %gt3A_149 = arith.cmpi sgt, %select_n3A_146, %gt3A_148 : vector<16xi32>
        %jit3A_150 = arith.constant 382 : i32
        %broadcast_in_dim3A_151 = vector.broadcast %jit3A_150 : i32 to vector<16xi32>
        %select_n3A_152 = arith.select %gt3A_149, %broadcast_in_dim3A_151, %select_n3A_146 : vector<16xi1>, vector<16xi32>
        %sub3A_153 = vector.broadcast %min3A : i32 to vector<16xi32>
        %sub3A_154 = arith.subi %select_n3A_133, %sub3A_153 : vector<16xi32>
        %mul3A_155 = arith.constant 384 : i32
        %mul3A_156 = vector.broadcast %mul3A_155 : i32 to vector<16xi32>
        %mul3A_157 = arith.muli %sub3A_154, %mul3A_156 : vector<16xi32>
        %add3A_158 = arith.addi %mul3A_157, %select_n3A_152 : vector<16xi32>
        %swap3A_159 = arith.index_cast %mul3A_117 : i32 to index
        %swap3A_160 = tpu.vector_load %arg6[%swap3A_159] {strides = array<i32>} : memref<18432xi32, #tpu.memory_space<vmem>>, vector<16xi32>,
        tpu.vector_store %arg6[%swap3A_159], %add3A_158 {strides = array<i32>} : memref<18432xi32, #tpu.memory_space<vmem>>, vector<16xi32>,
        %scan3A_161 = arith.constant 0 : i32
        %scan3A_162 = arith.constant 2 : i32
        %scan3A_163 = arith.addi %scan3A_64, %scan3A_162 : i32
        %mul3A_164 = arith.constant 24 : i32
        %mul3A_165 = arith.muli %scan3A_54, %mul3A_164 : i32
        %add3A_166 = arith.addi %mul3A_165, %scan3A_163 : i32
        %mul3A_167 = arith.constant 16 : i32
        %mul3A_168 = arith.muli %add3A_166, %mul3A_167 : i32
        %get3A_169 = arith.index_cast %mul3A_168 : i32 to index
        %get3A_170 = tpu.vector_load %arg6[%get3A_169] {strides = array<i32>} : memref<18432xi32, #tpu.memory_space<vmem>>, vector<16xi32>,
        %add3A_171 = vector.broadcast %add3A_56 : i32 to vector<16xi32>
        %add3A_172 = arith.addi %add3A_171, %get3A_170 : vector<16xi32>
        %lt3A_173 = arith.constant 0 : i32
        %lt3A_174 = vector.broadcast %lt3A_173 : i32 to vector<16xi32>
        %lt3A_175 = arith.cmpi slt, %add3A_172, %lt3A_174 : vector<16xi32>
        %jit3A_176 = arith.constant 1 : i32
        %broadcast_in_dim3A_177 = vector.broadcast %jit3A_176 : i32 to vector<16xi32>
        %select_n3A_178 = arith.select %lt3A_175, %broadcast_in_dim3A_177, %add3A_172 : vector<16xi1>, vector<16xi32>
        %gt3A_179 = arith.constant 383 : i32
        %gt3A_180 = vector.broadcast %gt3A_179 : i32 to vector<16xi32>
        %gt3A_181 = arith.cmpi sgt, %select_n3A_178, %gt3A_180 : vector<16xi32>
        %jit3A_182 = arith.constant 382 : i32
        %broadcast_in_dim3A_183 = vector.broadcast %jit3A_182 : i32 to vector<16xi32>
        %select_n3A_184 = arith.select %gt3A_181, %broadcast_in_dim3A_183, %select_n3A_178 : vector<16xi1>, vector<16xi32>
        %mul3A_185 = arith.constant 16 : i32
        %mul3A_186 = arith.muli %scan3A_163, %mul3A_185 : i32
        %add3A_187 = vector.broadcast %mul3A_186 : i32 to vector<16xi32>
        %add3A_188 = arith.addi %add3A_187, %iota3A : vector<16xi32>
        %get3A_189 = arith.index_cast %mul3A_168 : i32 to index
        %get3A_190 = tpu.vector_load %arg7[%get3A_189] {strides = array<i32>} : memref<18432xi32, #tpu.memory_space<vmem>>, vector<16xi32>,
        %add3A_191 = arith.addi %add3A_188, %get3A_190 : vector<16xi32>
        %lt3A_192 = arith.constant 0 : i32
        %lt3A_193 = vector.broadcast %lt3A_192 : i32 to vector<16xi32>
        %lt3A_194 = arith.cmpi slt, %add3A_191, %lt3A_193 : vector<16xi32>
        %jit3A_195 = arith.constant 1 : i32
        %broadcast_in_dim3A_196 = vector.broadcast %jit3A_195 : i32 to vector<16xi32>
        %select_n3A_197 = arith.select %lt3A_194, %broadcast_in_dim3A_196, %add3A_191 : vector<16xi1>, vector<16xi32>
        %gt3A_198 = arith.constant 383 : i32
        %gt3A_199 = vector.broadcast %gt3A_198 : i32 to vector<16xi32>
        %gt3A_200 = arith.cmpi sgt, %select_n3A_197, %gt3A_199 : vector<16xi32>
        %jit3A_201 = arith.constant 382 : i32
        %broadcast_in_dim3A_202 = vector.broadcast %jit3A_201 : i32 to vector<16xi32>
        %select_n3A_203 = arith.select %gt3A_200, %broadcast_in_dim3A_202, %select_n3A_197 : vector<16xi1>, vector<16xi32>
        %sub3A_204 = vector.broadcast %min3A : i32 to vector<16xi32>
        %sub3A_205 = arith.subi %select_n3A_184, %sub3A_204 : vector<16xi32>
        %mul3A_206 = arith.constant 384 : i32
        %mul3A_207 = vector.broadcast %mul3A_206 : i32 to vector<16xi32>
        %mul3A_208 = arith.muli %sub3A_205, %mul3A_207 : vector<16xi32>
        %add3A_209 = arith.addi %mul3A_208, %select_n3A_203 : vector<16xi32>
        %swap3A_210 = arith.index_cast %mul3A_168 : i32 to index
        %swap3A_211 = tpu.vector_load %arg6[%swap3A_210] {strides = array<i32>} : memref<18432xi32, #tpu.memory_space<vmem>>, vector<16xi32>,
        tpu.vector_store %arg6[%swap3A_210], %add3A_209 {strides = array<i32>} : memref<18432xi32, #tpu.memory_space<vmem>>, vector<16xi32>,
        %scan3A_212 = arith.constant 0 : i32
        %scan3A_213 = arith.constant 3 : i32
        %scan3A_214 = arith.addi %scan3A_64, %scan3A_213 : i32
        %mul3A_215 = arith.constant 24 : i32
        %mul3A_216 = arith.muli %scan3A_54, %mul3A_215 : i32
        %add3A_217 = arith.addi %mul3A_216, %scan3A_214 : i32
        %mul3A_218 = arith.constant 16 : i32
        %mul3A_219 = arith.muli %add3A_217, %mul3A_218 : i32
        %get3A_220 = arith.index_cast %mul3A_219 : i32 to index
        %get3A_221 = tpu.vector_load %arg6[%get3A_220] {strides = array<i32>} : memref<18432xi32, #tpu.memory_space<vmem>>, vector<16xi32>,
        %add3A_222 = vector.broadcast %add3A_56 : i32 to vector<16xi32>
        %add3A_223 = arith.addi %add3A_222, %get3A_221 : vector<16xi32>
        %lt3A_224 = arith.constant 0 : i32
        %lt3A_225 = vector.broadcast %lt3A_224 : i32 to vector<16xi32>
        %lt3A_226 = arith.cmpi slt, %add3A_223, %lt3A_225 : vector<16xi32>
        %jit3A_227 = arith.constant 1 : i32
        %broadcast_in_dim3A_228 = vector.broadcast %jit3A_227 : i32 to vector<16xi32>
        %select_n3A_229 = arith.select %lt3A_226, %broadcast_in_dim3A_228, %add3A_223 : vector<16xi1>, vector<16xi32>
        %gt3A_230 = arith.constant 383 : i32
        %gt3A_231 = vector.broadcast %gt3A_230 : i32 to vector<16xi32>
        %gt3A_232 = arith.cmpi sgt, %select_n3A_229, %gt3A_231 : vector<16xi32>
        %jit3A_233 = arith.constant 382 : i32
        %broadcast_in_dim3A_234 = vector.broadcast %jit3A_233 : i32 to vector<16xi32>
        %select_n3A_235 = arith.select %gt3A_232, %broadcast_in_dim3A_234, %select_n3A_229 : vector<16xi1>, vector<16xi32>
        %mul3A_236 = arith.constant 16 : i32
        %mul3A_237 = arith.muli %scan3A_214, %mul3A_236 : i32
        %add3A_238 = vector.broadcast %mul3A_237 : i32 to vector<16xi32>
        %add3A_239 = arith.addi %add3A_238, %iota3A : vector<16xi32>
        %get3A_240 = arith.index_cast %mul3A_219 : i32 to index
        %get3A_241 = tpu.vector_load %arg7[%get3A_240] {strides = array<i32>} : memref<18432xi32, #tpu.memory_space<vmem>>, vector<16xi32>,
        %add3A_242 = arith.addi %add3A_239, %get3A_241 : vector<16xi32>
        %lt3A_243 = arith.constant 0 : i32
        %lt3A_244 = vector.broadcast %lt3A_243 : i32 to vector<16xi32>
        %lt3A_245 = arith.cmpi slt, %add3A_242, %lt3A_244 : vector<16xi32>
        %jit3A_246 = arith.constant 1 : i32
        %broadcast_in_dim3A_247 = vector.broadcast %jit3A_246 : i32 to vector<16xi32>
        %select_n3A_248 = arith.select %lt3A_245, %broadcast_in_dim3A_247, %add3A_242 : vector<16xi1>, vector<16xi32>
        %gt3A_249 = arith.constant 383 : i32
        %gt3A_250 = vector.broadcast %gt3A_249 : i32 to vector<16xi32>
        %gt3A_251 = arith.cmpi sgt, %select_n3A_248, %gt3A_250 : vector<16xi32>
        %jit3A_252 = arith.constant 382 : i32
        %broadcast_in_dim3A_253 = vector.broadcast %jit3A_252 : i32 to vector<16xi32>
        %select_n3A_254 = arith.select %gt3A_251, %broadcast_in_dim3A_253, %select_n3A_248 : vector<16xi1>, vector<16xi32>
        %sub3A_255 = vector.broadcast %min3A : i32 to vector<16xi32>
        %sub3A_256 = arith.subi %select_n3A_235, %sub3A_255 : vector<16xi32>
        %mul3A_257 = arith.constant 384 : i32
        %mul3A_258 = vector.broadcast %mul3A_257 : i32 to vector<16xi32>
        %mul3A_259 = arith.muli %sub3A_256, %mul3A_258 : vector<16xi32>
        %add3A_260 = arith.addi %mul3A_259, %select_n3A_254 : vector<16xi32>
        %swap3A_261 = arith.index_cast %mul3A_219 : i32 to index
        %swap3A_262 = tpu.vector_load %arg6[%swap3A_261] {strides = array<i32>} : memref<18432xi32, #tpu.memory_space<vmem>>, vector<16xi32>,
        tpu.vector_store %arg6[%swap3A_261], %add3A_260 {strides = array<i32>} : memref<18432xi32, #tpu.memory_space<vmem>>, vector<16xi32>,
        %scan3A_263 = arith.constant 0 : i32
        scf.yield %scan3A_263 : i32
      }
      %scan3A_63 = arith.constant 24 : i32
      scf.yield %scan3A_62 : i32
    }
    %scan3A_46 = arith.constant 48 : i32
    %scan3A_47 = arith.constant 0 : i32
    %scan3A_48 = arith.constant 0 : i32
    %scan3A_49 = arith.constant 96 : i32
    %scan3A_50 = arith.addi %scan3A_48, %scan3A_49 : i32
    %scan3A_51 = arith.constant 1 : i32
    %scan3A_52 = scf.for %scan3A_54 = %scan3A_48 to %scan3A_50 step %scan3A_51 iter_args(%scan3A_55 = %scan3A_47) -> (i32)  : i32 {
      %mul3A_56 = arith.constant 96 : i32
      %mul3A_57 = arith.muli %select_n3A, %mul3A_56 : i32
      %add3A_58 = arith.addi %mul3A_57, %scan3A_54 : i32
      %mul3A_59 = arith.constant 384 : i32
      %mul3A_60 = arith.muli %min3A, %mul3A_59 : i32
      "tpu.region"() ({
        %run_scoped3A = tpu.sem_alloc : memref<!tpu.dma_semaphore, #tpu.memory_space<semaphore_mem>>
        %dma_start3A = tpu.memref_slice %arg2[%add3A_58, %mul3A_60] : memref<384x147456xf32, #tpu.memory_space<hbm>> -> memref<1x19200xf32, #tpu.memory_space<hbm>>
        %dma_start3A_71 = tpu.memref_squeeze %dma_start3A : memref<1x19200xf32, #tpu.memory_space<hbm>> -> memref<19200xf32, #tpu.memory_space<hbm>>
        %dma_start3A_72 = tpu.memref_slice %arg2[%add3A_58, %mul3A_60] : memref<384x147456xf32, #tpu.memory_space<hbm>> -> memref<1x19200xf32, #tpu.memory_space<hbm>>
        %dma_start3A_73 = tpu.memref_squeeze %dma_start3A_72 : memref<1x19200xf32, #tpu.memory_space<hbm>> -> memref<19200xf32, #tpu.memory_space<hbm>>
        tpu.enqueue_dma source(%dma_start3A_73 : memref<19200xf32, #tpu.memory_space<hbm>>) target(%arg8 : memref<19200xf32, #tpu.memory_space<vmem>>) target_semaphore(%run_scoped3A : memref<!tpu.dma_semaphore, #tpu.memory_space<semaphore_mem>>)
        %dma_wait3A = tpu.memref_slice %arg2[%add3A_58, %mul3A_60] : memref<384x147456xf32, #tpu.memory_space<hbm>> -> memref<1x19200xf32, #tpu.memory_space<hbm>>
        %dma_wait3A_74 = tpu.memref_squeeze %dma_wait3A : memref<1x19200xf32, #tpu.memory_space<hbm>> -> memref<19200xf32, #tpu.memory_space<hbm>>
        %dma_wait3A_75 = tpu.memref_slice %arg2[%add3A_58, %mul3A_60] : memref<384x147456xf32, #tpu.memory_space<hbm>> -> memref<1x19200xf32, #tpu.memory_space<hbm>>
        %dma_wait3A_76 = tpu.memref_squeeze %dma_wait3A_75 : memref<1x19200xf32, #tpu.memory_space<hbm>> -> memref<19200xf32, #tpu.memory_space<hbm>>
        tpu.wait_dma2 semaphore(%run_scoped3A : memref<!tpu.dma_semaphore, #tpu.memory_space<semaphore_mem>>) src(%dma_wait3A_76 : memref<19200xf32, #tpu.memory_space<hbm>>) dst(%arg8 : memref<19200xf32, #tpu.memory_space<vmem>>)
        tpu.yield
      }) : () -> ()
      %scan3A_61 = arith.constant 0 : i32
      %scan3A_62 = arith.constant 0 : i32
      %scan3A_63 = arith.constant 1152 : i32
      %scan3A_64 = arith.addi %scan3A_62, %scan3A_63 : i32
      %scan3A_65 = arith.constant 4 : i32
      %scan3A_66 = scf.for %scan3A_71 = %scan3A_62 to %scan3A_64 step %scan3A_65 iter_args(%scan3A_72 = %scan3A_61) -> (i32)  : i32 {
        %mul3A_73 = arith.constant 16 : i32
        %mul3A_74 = arith.muli %scan3A_71, %mul3A_73 : i32
        %get3A = arith.index_cast %mul3A_74 : i32 to index
        %get3A_75 = tpu.vector_load %arg6[%get3A] {strides = array<i32>} : memref<18432xi32, #tpu.memory_space<vmem>>, vector<16xi32>,
        %gather3A = tpu.vector_load_idx %arg8[%get3A_75] : memref<19200xf32, #tpu.memory_space<vmem>>[vector<16xi32>], vector<16xf32>,
        %swap3A = arith.index_cast %mul3A_74 : i32 to index
        %swap3A_76 = tpu.vector_load %arg9[%swap3A] {strides = array<i32>} : memref<18432xf32, #tpu.memory_space<vmem>>, vector<16xf32>,
        tpu.vector_store %arg9[%swap3A], %gather3A {strides = array<i32>} : memref<18432xf32, #tpu.memory_space<vmem>>, vector<16xf32>,
        %scan3A_77 = arith.constant 0 : i32
        %scan3A_78 = arith.constant 1 : i32
        %scan3A_79 = arith.addi %scan3A_71, %scan3A_78 : i32
        %mul3A_80 = arith.constant 16 : i32
        %mul3A_81 = arith.muli %scan3A_79, %mul3A_80 : i32
        %get3A_82 = arith.index_cast %mul3A_81 : i32 to index
        %get3A_83 = tpu.vector_load %arg6[%get3A_82] {strides = array<i32>} : memref<18432xi32, #tpu.memory_space<vmem>>, vector<16xi32>,
        %gather3A_84 = tpu.vector_load_idx %arg8[%get3A_83] : memref<19200xf32, #tpu.memory_space<vmem>>[vector<16xi32>], vector<16xf32>,
        %swap3A_85 = arith.index_cast %mul3A_81 : i32 to index
        %swap3A_86 = tpu.vector_load %arg9[%swap3A_85] {strides = array<i32>} : memref<18432xf32, #tpu.memory_space<vmem>>, vector<16xf32>,
        tpu.vector_store %arg9[%swap3A_85], %gather3A_84 {strides = array<i32>} : memref<18432xf32, #tpu.memory_space<vmem>>, vector<16xf32>,
        %scan3A_87 = arith.constant 0 : i32
        %scan3A_88 = arith.constant 2 : i32
        %scan3A_89 = arith.addi %scan3A_71, %scan3A_88 : i32
        %mul3A_90 = arith.constant 16 : i32
        %mul3A_91 = arith.muli %scan3A_89, %mul3A_90 : i32
        %get3A_92 = arith.index_cast %mul3A_91 : i32 to index
        %get3A_93 = tpu.vector_load %arg6[%get3A_92] {strides = array<i32>} : memref<18432xi32, #tpu.memory_space<vmem>>, vector<16xi32>,
        %gather3A_94 = tpu.vector_load_idx %arg8[%get3A_93] : memref<19200xf32, #tpu.memory_space<vmem>>[vector<16xi32>], vector<16xf32>,
        %swap3A_95 = arith.index_cast %mul3A_91 : i32 to index
        %swap3A_96 = tpu.vector_load %arg9[%swap3A_95] {strides = array<i32>} : memref<18432xf32, #tpu.memory_space<vmem>>, vector<16xf32>,
        tpu.vector_store %arg9[%swap3A_95], %gather3A_94 {strides = array<i32>} : memref<18432xf32, #tpu.memory_space<vmem>>, vector<16xf32>,
        %scan3A_97 = arith.constant 0 : i32
        %scan3A_98 = arith.constant 3 : i32
        %scan3A_99 = arith.addi %scan3A_71, %scan3A_98 : i32
        %mul3A_100 = arith.constant 16 : i32
        %mul3A_101 = arith.muli %scan3A_99, %mul3A_100 : i32
        %get3A_102 = arith.index_cast %mul3A_101 : i32 to index
        %get3A_103 = tpu.vector_load %arg6[%get3A_102] {strides = array<i32>} : memref<18432xi32, #tpu.memory_space<vmem>>, vector<16xi32>,
        %gather3A_104 = tpu.vector_load_idx %arg8[%get3A_103] : memref<19200xf32, #tpu.memory_space<vmem>>[vector<16xi32>], vector<16xf32>,
        %swap3A_105 = arith.index_cast %mul3A_101 : i32 to index
        %swap3A_106 = tpu.vector_load %arg9[%swap3A_105] {strides = array<i32>} : memref<18432xf32, #tpu.memory_space<vmem>>, vector<16xf32>,
        tpu.vector_store %arg9[%swap3A_105], %gather3A_104 {strides = array<i32>} : memref<18432xf32, #tpu.memory_space<vmem>>, vector<16xf32>,
        %scan3A_107 = arith.constant 0 : i32
        scf.yield %scan3A_107 : i32
      }
      %scan3A_67 = arith.constant 1152 : i32
      %mul3A_68 = arith.constant 384 : i32
      %mul3A_69 = arith.muli %mul3A_32, %mul3A_68 : i32
      "tpu.region"() ({
        %run_scoped3A = tpu.sem_alloc : memref<!tpu.dma_semaphore, #tpu.memory_space<semaphore_mem>>
        %dma_start3A = tpu.memref_slice %arg5[%add3A_58, %mul3A_69] : memref<384x147456xf32, #tpu.memory_space<hbm>> -> memref<1x18432xf32, #tpu.memory_space<hbm>>
        %dma_start3A_71 = tpu.memref_squeeze %dma_start3A : memref<1x18432xf32, #tpu.memory_space<hbm>> -> memref<18432xf32, #tpu.memory_space<hbm>>
        %dma_start3A_72 = tpu.memref_slice %arg5[%add3A_58, %mul3A_69] : memref<384x147456xf32, #tpu.memory_space<hbm>> -> memref<1x18432xf32, #tpu.memory_space<hbm>>
        %dma_start3A_73 = tpu.memref_squeeze %dma_start3A_72 : memref<1x18432xf32, #tpu.memory_space<hbm>> -> memref<18432xf32, #tpu.memory_space<hbm>>
        tpu.enqueue_dma source(%arg9 : memref<18432xf32, #tpu.memory_space<vmem>>) target(%dma_start3A_73 : memref<18432xf32, #tpu.memory_space<hbm>>) target_semaphore(%run_scoped3A : memref<!tpu.dma_semaphore, #tpu.memory_space<semaphore_mem>>)
        %dma_wait3A = tpu.memref_slice %arg5[%add3A_58, %mul3A_69] : memref<384x147456xf32, #tpu.memory_space<hbm>> -> memref<1x18432xf32, #tpu.memory_space<hbm>>
        %dma_wait3A_74 = tpu.memref_squeeze %dma_wait3A : memref<1x18432xf32, #tpu.memory_space<hbm>> -> memref<18432xf32, #tpu.memory_space<hbm>>
        %dma_wait3A_75 = tpu.memref_slice %arg5[%add3A_58, %mul3A_69] : memref<384x147456xf32, #tpu.memory_space<hbm>> -> memref<1x18432xf32, #tpu.memory_space<hbm>>
        %dma_wait3A_76 = tpu.memref_squeeze %dma_wait3A_75 : memref<1x18432xf32, #tpu.memory_space<hbm>> -> memref<18432xf32, #tpu.memory_space<hbm>>
        tpu.wait_dma2 semaphore(%run_scoped3A : memref<!tpu.dma_semaphore, #tpu.memory_space<semaphore_mem>>) src(%arg9 : memref<18432xf32, #tpu.memory_space<vmem>>) dst(%dma_wait3A_76 : memref<18432xf32, #tpu.memory_space<hbm>>)
        tpu.yield
      }) : () -> ()
      %scan3A_70 = arith.constant 0 : i32
      scf.yield %scan3A_70 : i32
    }
    %scan3A_53 = arith.constant 96 : i32
    return
  }
}

</mosaic_0001>

<sc_bundles>
// kernel: kernel.3.cloned.1.call-start
scs
__scs_entry_jumppad:
0x0: {  	(pc) =	sbr.rel $0x88, $3  }
0x1: {  	(tag) =	ssettag $0x0;
	lr =	simm.s32 $0x1  }
0x2: {  	[smem:$0x3FA0] =	sst lr;
	_ =	strace $0xD0000000  }
0x3: {  	_ = 	snop  }
0x4: {  	_ = 	snop  }
0x5: {  	_ = 	snop  }
0x6: {  	_ = 	snop  }
0x7: {  	_ = 	snop  }
__scs_overlays_trampoline_lowered:
0x8: {  	[smem:$0x3FAF] =	sst s0  }
0x9: {  	[smem:$0x3FB0] =	sst s1  }
0xa: {  	[smem:$0x3FB1] =	sst s2  }
0xb: {  	[smem:$0x3FB2] =	sst s3  }
0xc: {  	[smem:$0x3FB3] =	sst s4  }
0xd: {  	[smem:$0x3FB4] =	sst s5  }
0xe: {  	[smem:$0x3FB5] =	sst s6  }
0xf: {  	[smem:$0x3FB6] =	sst s7  }
0x10: {  	[smem:$0x3FB7] =	sst s8  }
0x11: {  	[smem:$0x3FB8] =	sst s9;
	s0 =	simm.s32 @!p0 $0x0  }
0x12: {  	s1 =	sld [smem:$0x3F9E];
	s0 =	simm.s32 @p0 $0x1  }
0x13: {  	[smem:$0x3FB9] =	sst s0;
	s0 =	simm.s32 @!p1 $0x0  }
0x14: {  	s2 =	sld [smem:$0x3F9D];
	s0 =	simm.s32 @p1 $0x1  }
0x15: {  	[smem:$0x3FBA] =	sst s0;
	s0 =	simm.s32 @!p2 $0x0  }
0x16: {  	s3 =	sld [smem:$0x3FDB];
	s0 =	simm.s32 @p2 $0x1  }
0x17: {  	s4 =	simm.s32 $0x1BF5;
	[smem:$0x3FBC] =	sst s0  }
0x18: {  	s0 =	sld [smem:$0x3F9F];
	_ =	swait.ge [sflag:s4], $0x0  }
0x19: {  	s7 =	sld [smem:$0x3FA0]  }
0x1a: {  	s8 =	sadd.s32 $0xFFFFE003, lr  }
0x1b: {  	s9 =	sadd.s32 $0xFFFFFEF7, lr;
	s5 =	simm.s32 $0xFFFFFFFF;
	p2 =	slt.u32 s8, $0xFFFFF086  }
0x1c: {  	p1 =	slt.u32 s9, $0xF7A;
	s5 =	simm.s32 @!p2 $0x0  }
0x1d: {  	s5 =	simm.s32 @p1 $0x1;
	p0 =	seq.s32 s7, s2  }
0x1e: {  	s7 =	smul.u32 @!p0 $0xF7A, s2;
	p2 =	seq.s32 @!p0 s5, $0x0  }
0x1f: {  	s9 =	smul.u32 $0xF7A, s1;
	s8 =	simm.s32 @!p0 $0x1BF5;
	p2 =	por !p2, p0  }
0x20: {  	[sflag:s8] =	ssyncset.s32 @!p0 $0xFFFFF086;
	s6 =	sadd.s32 @!p0 s3, s7;
	s7 =	simm.s32 @!p0 $0x108  }
0x21: {  	s3 =	sadd.s32 s3, s9;
	s6 =	sadd.s32 @!p0 $0x88, s6;
	s7 =	simm.s32 @p2 $0x1082  }
0x22: {  	[simem:s7], [sflag:s8] =	dma.local @!p0 [hbm:s6], $0xF7A  }
0x23: {  	s9 =	sor.u32 $0xD0000000, s2;
	s6 =	simm.s32 $0x108;
	_ =	swait.ge @!p0 [sflag:s8], $0x0  }
0x24: {  	s3 =	sadd.s32 $0x88, s3;
	s6 =	simm.s32 @!p1 $0x1082;
	[sflag:s4] =	ssyncset.s32 $0xFFFFF086  }
0x25: {  	[simem:s6], [sflag:s4] =	dma.local [hbm:s3], $0xF7A  }
0x26: {  	[smem:$0x3FA0] =	sst s1;
	(tag) =	ssettag s2;
	_ =	strace s9  }
0x27: {  	s1 =	sld [smem:$0x3FB0]  }
0x28: {  	s2 =	sld [smem:$0x3FB1]  }
0x29: {  	s4 =	sld [smem:$0x3FB3]  }
0x2a: {  	p0 =	seq.s32 s5, $0x0;
	s5 =	sld [smem:$0x3FB4]  }
0x2b: {  	s6 =	sld [smem:$0x3FB5]  }
0x2c: {  	s7 =	sld [smem:$0x3FB6]  }
0x2d: {  	s3 =	simm.s32 $0x108;
	s8 =	sld [smem:$0x3FB7]  }
0x2e: {  	s3 =	simm.s32 @!p0 $0x1082;
	s9 =	sld [smem:$0x3FB8]  }
0x2f: {  	lr =	sadd.s32 s0, s3;
	s0 =	sld [smem:$0x3FAF]  }
0x30: {  	s3 =	sld [smem:$0x3FB2]  }
0x31: {  	[smem:$0x3FBB] =	sst s10  }
0x32: {  	s10 =	sld [smem:$0x3FB9];
	_ =	sdelay $0x3  }
0x33: {  	p0 =	seq.s32 s10, $0x1;
	s10 =	sld [smem:$0x3FBB];
	_ =	sdelay $0x3  }
0x34: {  	[smem:$0x3FBB] =	sst s10  }
0x35: {  	s10 =	sld [smem:$0x3FBA];
	_ =	sdelay $0x3  }
0x36: {  	p1 =	seq.s32 s10, $0x1;
	s10 =	sld [smem:$0x3FBB];
	_ =	sdelay $0x3  }
0x37: {  	[smem:$0x3FBB] =	sst s10  }
0x38: {  	s10 =	sld [smem:$0x3FBC]  }
0x39: {  	_ = 	snop;
	(pc) =	sbr.ind lr, $3  }
0x3a: {  	_ = 	snop  }
0x3b: {  	_ = 	snop  }
0x3c: {  	p2 =	seq.s32 s10, $0x1;
	s10 =	sld [smem:$0x3FBB]  }
0x3d: {  	_ =	shalt  }
0x3e: {  	_ =	shalt  }
0x3f: {  	_ =	shalt  }
0x40: {  	_ =	shalt  }
0x41: {  	_ =	shalt  }
0x42: {  	_ =	shalt  }
0x43: {  	_ =	shalt  }
0x44: {  	_ =	shalt  }
0x45: {  	_ =	shalt  }
0x46: {  	_ =	shalt  }
0x47: {  	_ =	shalt  }
0x48: {  	_ =	shalt  }
0x49: {  	_ =	shalt  }
0x4a: {  	_ =	shalt  }
0x4b: {  	_ =	shalt  }
0x4c: {  	_ =	shalt  }
0x4d: {  	_ =	shalt  }
0x4e: {  	_ =	shalt  }
0x4f: {  	_ =	shalt  }
0x50: {  	_ =	shalt  }
0x51: {  	_ =	shalt  }
0x52: {  	_ =	shalt  }
0x53: {  	_ =	shalt  }
0x54: {  	_ =	shalt  }
0x55: {  	_ =	shalt  }
0x56: {  	_ =	shalt  }
0x57: {  	_ =	shalt  }
0x58: {  	_ =	shalt  }
0x59: {  	_ =	shalt  }
0x5a: {  	_ =	shalt  }
0x5b: {  	_ =	shalt  }
0x5c: {  	_ =	shalt  }
0x5d: {  	_ =	shalt  }
0x5e: {  	_ =	shalt  }
0x5f: {  	_ =	shalt  }
0x60: {  	_ =	shalt  }
0x61: {  	_ =	shalt  }
0x62: {  	_ =	shalt  }
0x63: {  	_ =	shalt  }
0x64: {  	_ =	shalt  }
0x65: {  	_ =	shalt  }
0x66: {  	_ =	shalt  }
0x67: {  	_ =	shalt  }
0x68: {  	_ =	shalt  }
0x69: {  	_ =	shalt  }
0x6a: {  	_ =	shalt  }
0x6b: {  	_ =	shalt  }
0x6c: {  	_ =	shalt  }
0x6d: {  	_ =	shalt  }
0x6e: {  	_ =	shalt  }
0x6f: {  	_ =	shalt  }
0x70: {  	_ =	shalt  }
0x71: {  	_ =	shalt  }
0x72: {  	_ =	shalt  }
0x73: {  	_ =	shalt  }
0x74: {  	_ =	shalt  }
0x75: {  	_ =	shalt  }
0x76: {  	_ =	shalt  }
0x77: {  	_ =	shalt  }
0x78: {  	_ =	shalt  }
0x79: {  	_ =	shalt  }
0x7a: {  	_ =	shalt  }
0x7b: {  	_ =	shalt  }
0x7c: {  	_ =	shalt  }
0x7d: {  	_ =	shalt  }
0x7e: {  	_ =	shalt  }
0x7f: {  	_ =	shalt  }
0x80: {  	_ =	shalt  }
0x81: {  	_ =	shalt  }
0x82: {  	_ =	shalt  }
0x83: {  	_ =	shalt  }
0x84: {  	_ =	shalt  }
0x85: {  	_ =	shalt  }
0x86: {  	_ =	shalt  }
0x87: {  	_ =	shalt  }
.Lfunc_end0:
.L_simem_size_0:
called_computation.2_lowered:
.L_overlay_start_0:
0x88: {  	s2 =	sld [smem:$0x3FD9]  }
0x89: {  	s3 =	sld [smem:$0x3FFE];
	_ =	sdelay $0x1  }
0x8a: {  	s1 =	srdreg.scid  }
0x8b: {  	s0 =	sand.u32 $0x1, s1  }
0x8c: {  	s17 =	sshll.u32 s0, $0xA;
	s2 =	sadd.s32 s3, s2  }
0x8d: {  	s2 =	sadd.s32 s2, s17  }
0x8e: {  	[smem:$0x3FC7] =	sst s2  }
0x8f: {  	_ = 	snop  }
0x90: {  	s2 =	sld [smem:$0x3FD0];
	(tm) =	ssettm $0x1  }
0x91: {  	s18 =	sld [smem:$0x3FFB];
	_ =	sdelay $0x3  }
0x92: {  	_ =	strace s18  }
0x93: {  	s3 =	sld [smem:$0x3FFC];
	_ =	sdelay $0x3  }
0x94: {  	_ =	strace s3  }
0x95: {  	s3 =	sld [smem:$0x3FFD];
	_ =	sdelay $0x3  }
0x96: {  	_ =	strace s3  }
0x97: {  	_ =	strace $0x8FFFFFFF  }
0x98: {  	s19 =	sld [smem:$0x3FDB];
	_ =	sdelay $0x1  }
0x99: {  	s4 =	simm.s32 $_scs_section_size  }
0x9a: {  	s5 =	simm.s32 $_size__tile_overlayer_lowered;
	s6 =	simm.s32 $_tile_overlayer_lowered  }
0x9b: {  	s22 =	simm.s32 $0x1BFF;
	s21 =	sshll.u32 s6, $0x1;
	s3 =	sadd.s32 s4, s19  }
0x9c: {  	s7 =	simm.s32 $0x0;
	s20 =	sshll.u32 s5, $0x1;
	s5 =	sadd.s32 s21, s3  }
0x9d: {  	[timem:s7], [sflag:s22] =	dma.local [hbm:s5], s20  }
0x9e: {  	_ =	swait.ge [sflag:s22], s20  }
0x9f: {  	s4 =	ssub.s32 $0x0, s20;
	[sflag:s22] =	ssyncset.done $0x0  }
0xa0: {  	[sflag:s22] =	ssyncadd.s32 s4;
	_ =	sdelay $0x1  }
0xa1: {  	s23 =	simm.s32 $0x1B8B  }
0xa2: {  	_ =	swait.ge [sflag:s23], $0x1  }
0xa3: {  	[sflag:s23] =	ssyncset.done $0x0  }
0xa4: {  	s25 =	simm.s32 $0x1B8E;
	s24 =	sld [smem:$0x3FFE];
	[sflag:s23] =	ssyncadd.s32 $0xFFFFFFFF  }
0xa5: {  	s26 =	simm.s32 $execute0_lowered;
	[smem:$0x3FD2] =	sst s25  }
0xa6: {  	s5 =	sshll.u32 s26, $0x1;
	_ =	strace $0x80000049;
	[dreg:$0x1] =	wrdreg $0xFFFFFFFF  }
0xa7: {  	s28 =	simm.s32 $_size_execute0_lowered;
	s3 =	sadd.s32 s3, s5;
	[dreg:$0x0] =	wrdreg $0x0  }
0xa8: {  	s5 =	sshll.u32 s28, $0x1;
	[dreg:$0x2] =	wrdreg s3  }
0xa9: {  	[dreg:$0x3] =	wrdreg s5  }
0xaa: {  	[dreg:$0x4] =	wrdreg $0xC0  }
0xab: {  	_ =	task [dreg:s7], $0x5FFFF  }
0xac: {  	[dreg:$0x1] =	wrdreg $0xFFFFFFFF  }
0xad: {  	[dreg:$0x0] =	wrdreg $0x60  }
0xae: {  	[dreg:$0x2] =	wrdreg s2  }
0xaf: {  	[dreg:$0x3] =	wrdreg s24  }
0xb0: {  	[dreg:$0x4] =	wrdreg $0x9  }
0xb1: {  	_ =	task.clear_ibuf [dreg:s7], $0x5FFFF;
	_ =	strace $0x90000049  }
0xb2: {  	s29 =	simm.s32 $0x9;
	_ =	strace $0x8000004B  }
0xb3: {  	_ =	swait.ge [sflag:s29], $0x1  }
0xb4: {  	[sflag:s29] =	ssyncadd.s32 $0xFFFFFFFF  }
0xb5: {  	_ =	strace $0x9000004B  }
0xb6: {  	_ =	sfence  }
0xb7: {  	s30 =	sld [smem:$0x0];
	_ =	sdelay $0x2  }
0xb8: {  	s31 =	sshll.u32 s1, $0xD;
	s1 =	sshrl.u32 s1, $0x2  }
0xb9: {  	s3 =	sand.u32 $0x4000, s31;
	s1 =	sadd.s32 s1, s30  }
0xba: {  	s0 =	sor.u32 s3, s0;
	s1 =	sshll.u32 s1, $0x11  }
0xbb: {  	s0 =	sor.u32 s1, s0  }
0xbc: {  	s0 =	sadd.s32 $0x8F2B, s0  }
0xbd: {  	[sflag:s0] =	ssyncadd.remote.s32 $0x1  }
0xbe: {  	_ =	sfence.sel $0xFFFF  }
0xbf: {  	[dreg:$0x0] =	wrdreg $0xFFFFFFFF;
	(pc) =	sbr.abs _section_cstart, $3  }
0xc0: {  	[dreg:$0x1] =	wrdreg $0xFFFFFFFF  }
0xc1: {  	_ =	task.clear_ibuf [dreg:s7], $0x2FFFF;
	_ =	strace $0x9FFFFFFF  }
0xc2: {  	(tm) =	ssettm $0x7FFFFFFF  }
0xc3: {  	_ =	shalt  }
tec
execute0_lowered:
.L_overlay_start_1:
0x0: {  	(tag) =	ssettag $0x1  }
0x1: {  	s0 =	stileid.u32;
	s2 =	rddreg [dreg:$0x0]  }
0x2: {  	s1 =	srdreg.scid;
	s6 =	rddreg [dreg:$0x1]  }
0x3: {  	s13 =	simm.s32 $0x200;
	s14 =	simm.s32 $0x1;
	s15 =	simm.s32 $0x4800  }
0x4: {  	s16 =	simm.s32 $0x400;
	s18 =	simm.s32 $0xDB00;
	s3 =	sshll.u32 s0, $0x1  }
0x5: {  	s19 =	simm.s32 $0x0;
	s5 =	sand.u32 $0x1, s1;
	s26 =	sand.u32 $0x6, s3  }
0x6: {  	s1 =	rddreg [dreg:$0x2];
	s7 =	sshrl.u32 s0, $0x2;
	s10 =	sor.u32 s5, s26  }
0x7: {  	s3 =	simm.s32 $0x0;
	s9 =	sshll.u32 s7, $0x7;
	s8 =	smul.u32 $0x12000, s10  }
0x8: {  	s29 =	ssub.s32 $0x2, s5;
	[smem:$0x7FF] =	sst s3;
	s4 =	smul.u32 $0x30, s10  }
0x9: {  	s31 =	sshrl.u32 s29, $0x1;
	s5 =	smul.u32 $0x60, s7;
	_ =	strace $0x8000004A  }
0xa: {  	s12 =	ssub.s32 s29, s31;
	s8 =	sor.u32 s9, s8;
	s28 =	smax.u32 s4, $0x1  }
0xb: {  	s10 =	smul.u32 $0x24000, s10;
	s8 =	sshrl.u32 s8, $0x3;
	s30 =	smin.u32 s28, $0x14F  }
0xc: {  	s11 =	sadd.s32 s8, s6;
	s17 =	sadd.s32 $0xFFFFFFFF, s30;
	s6 =	sadd.s32 $0x26600, s6  }
0xd: {  	s7 =	smul.u32 $0xC00, s17;
	s8 =	sadd.s32 $0x14600, s11;
	s9 =	sadd.s32 $0x2600, s11  }
0xe: {  	v1 =	vlaneseq.u32;
	s11 =	smax.u32 s12, $0x1;
	s12 =	simm.s32 $0x80;
	v0 =	vmov s17;
	s17 =	simm.s32 $0x9000  }
.LBB2_1:
0xf: {  	[tilespmem:s3], [sflag:$0x1] =	stream.strided.gather [hbm4b:s8+s12], $0x4800, s13, s12, $0x38;
	[tilespmem:$0x12300] =	vst v63  }
0x10: {  	_ =	swait.ge [sflag:s14], $0x4800  }
0x11: {  	[sflag:s14] =	ssyncset.done $0x0  }
0x12: {  	[sflag:s14] =	ssyncadd.s32 $0xFFFFB800  }
0x13: {  	[tilespmem:s15], [sflag:$0x1] =	stream.strided.gather [hbm4b:s9+s12], $0x4800, s13, s12, $0x38;
	[tilespmem:$0x12300] =	vst v63  }
0x14: {  	_ =	swait.ge [sflag:s14], $0x4800  }
0x15: {  	s20 =	simm.s32 $0x20;
	[sflag:s14] =	ssyncset.done $0x0  }
0x16: {  	s21 =	simm.s32 $0x4820;
	s22 =	simm.s32 $0x0;
	[sflag:s14] =	ssyncadd.s32 $0xFFFFB800  }
.LBB2_2:
0x17: {  	v3 =	vld [tilespmem:s20+$0xFFFFFFE0];
	_ =	sdelay $0x1  }
0x18: {  	v4 =	vld [tilespmem:s21+$0xFFFFFFE0]  }
0x19: {  	s23 =	sadd.s32 s4, s22  }
0x1a: {  	v2 =	vmov s23  }
0x1b: {  	v3 =	vadd.s32 v2, v3  }
0x1c: {  	s29 =	simm.s32 $0x0;
	vm0 =	vlt.s32 v3, $0x0  }
0x1d: {  	v4 =	vadd.s32 s29, v4;
	v3 =	vsel vm0, $0x1, v3  }
0x1e: {  	v4 =	vadd.s32 v1, v4;
	vm0 =	vgt.s32 v3, $0x17F  }
0x1f: {  	vm9 =	vlt.s32 v4, $0x0;
	v3 =	vsel vm0, $0x17E, v3  }
0x20: {  	v4 =	vsel vm9, $0x1, v4;
	v3 =	vsub.s32 v3, v0  }
0x21: {  	vm0 =	vgt.s32 v4, $0x17F;
	v3 =	vmul.u32 $0x180, v3  }
0x22: {  	v4 =	vsel vm0, $0x17E, v4  }
0x23: {  	v3 =	vadd.s32 v4, v3;
	v4 =	vld [tilespmem:s20+$0xFFFFFFF0]  }
0x24: {  	[tilespmem:s20+$0xFFFFFFE0] =	vst v3  }
0x25: {  	v3 =	vld [tilespmem:s21+$0xFFFFFFF0];
	_ =	sdelay $0x2  }
0x26: {  	v4 =	vadd.s32 v2, v4  }
0x27: {  	s30 =	simm.s32 $0x10;
	vm10 =	vlt.s32 v4, $0x0  }
0x28: {  	v4 =	vsel vm10, $0x1, v4;
	v3 =	vadd.s32 s30, v3  }
0x29: {  	vm0 =	vgt.s32 v4, $0x17F;
	v3 =	vadd.s32 v1, v3  }
0x2a: {  	v4 =	vsel vm0, $0x17E, v4;
	vm11 =	vlt.s32 v3, $0x0  }
0x2b: {  	v3 =	vsel vm11, $0x1, v3;
	v4 =	vsub.s32 v4, v0  }
0x2c: {  	vm0 =	vgt.s32 v3, $0x17F;
	v4 =	vmul.u32 $0x180, v4  }
0x2d: {  	v3 =	vsel vm0, $0x17E, v3  }
0x2e: {  	v3 =	vadd.s32 v3, v4;
	v4 =	vld [tilespmem:s20+$0x0]  }
0x2f: {  	[tilespmem:s20+$0xFFFFFFF0] =	vst v3  }
0x30: {  	v3 =	vld [tilespmem:s21+$0x0];
	_ =	sdelay $0x2  }
0x31: {  	v4 =	vadd.s32 v2, v4  }
0x32: {  	s31 =	simm.s32 $0x20;
	vm12 =	vlt.s32 v4, $0x0  }
0x33: {  	v4 =	vsel vm12, $0x1, v4;
	v3 =	vadd.s32 s31, v3  }
0x34: {  	vm0 =	vgt.s32 v4, $0x17F;
	v3 =	vadd.s32 v1, v3  }
0x35: {  	v4 =	vsel vm0, $0x17E, v4;
	vm13 =	vlt.s32 v3, $0x0  }
0x36: {  	v3 =	vsel vm13, $0x1, v3;
	v4 =	vsub.s32 v4, v0  }
0x37: {  	vm0 =	vgt.s32 v3, $0x17F;
	v4 =	vmul.u32 $0x180, v4  }
0x38: {  	v3 =	vsel vm0, $0x17E, v3  }
0x39: {  	v3 =	vadd.s32 v3, v4;
	v4 =	vld [tilespmem:s20+$0x10]  }
0x3a: {  	[tilespmem:s20+$0x0] =	vst v3  }
0x3b: {  	v3 =	vld [tilespmem:s21+$0x10];
	_ =	sdelay $0x2  }
0x3c: {  	v4 =	vadd.s32 v2, v4  }
0x3d: {  	s23 =	simm.s32 $0x30;
	vm14 =	vlt.s32 v4, $0x0  }
0x3e: {  	v3 =	vadd.s32 s23, v3;
	v4 =	vsel vm14, $0x1, v4  }
0x3f: {  	v3 =	vadd.s32 v1, v3;
	vm0 =	vgt.s32 v4, $0x17F  }
0x40: {  	vm1 =	vlt.s32 v3, $0x0;
	v4 =	vsel vm0, $0x17E, v4  }
0x41: {  	v5 =	vsel vm1, $0x1, v3;
	v3 =	vsub.s32 v4, v0  }
0x42: {  	s24 =	simm.s32 $0x0;
	vm15 =	vgt.s32 v5, $0x17F;
	v3 =	vmul.u32 $0x180, v3  }
0x43: {  	s26 =	sadd.s32 $0x40, s20;
	s25 =	smov.u32 s20;
	s28 =	smov.u32 s21;
	v4 =	vsel vm15, $0x17E, v5  }
.LBB2_3:
0x44: {  	v5 =	vld [tilespmem:s26+$0xFFFFFFE0];
	s24 =	sadd.s32 $0x4, s24;
	v3 =	vadd.s32 v4, v3  }
0x45: {  	s28 =	sadd.s32 $0x40, s28;
	p0 =	slt.u32 s24, $0x14;
	[tilespmem:s25+$0x10] =	vst v3;
	s25 =	smov.u32 s26  }
0x46: {  	v3 =	vld [tilespmem:s28+$0xFFFFFFE0];
	_ =	sdelay $0x2  }
0x47: {  	s23 =	sadd.s32 $0x40, s23;
	v4 =	vadd.s32 v2, v5  }
0x48: {  	s29 =	sadd.s32 $0xFFFFFFD0, s23;
	vm0 =	vlt.s32 v4, $0x0  }
0x49: {  	v4 =	vsel vm0, $0x1, v4;
	v3 =	vadd.s32 s29, v3  }
0x4a: {  	vm0 =	vgt.s32 v4, $0x17F;
	v3 =	vadd.s32 v1, v3  }
0x4b: {  	v4 =	vsel vm0, $0x17E, v4;
	vm0 =	vlt.s32 v3, $0x0  }
0x4c: {  	v3 =	vsel vm0, $0x1, v3;
	v4 =	vsub.s32 v4, v0  }
0x4d: {  	vm0 =	vgt.s32 v3, $0x17F;
	v4 =	vmul.u32 $0x180, v4  }
0x4e: {  	v3 =	vsel vm0, $0x17E, v3  }
0x4f: {  	v3 =	vadd.s32 v3, v4;
	v4 =	vld [tilespmem:s26+$0xFFFFFFF0]  }
0x50: {  	[tilespmem:s26+$0xFFFFFFE0] =	vst v3  }
0x51: {  	v3 =	vld [tilespmem:s28+$0xFFFFFFF0];
	_ =	sdelay $0x2  }
0x52: {  	v4 =	vadd.s32 v2, v4  }
0x53: {  	s29 =	sadd.s32 $0xFFFFFFE0, s23;
	vm0 =	vlt.s32 v4, $0x0  }
0x54: {  	v4 =	vsel vm0, $0x1, v4;
	v3 =	vadd.s32 s29, v3  }
0x55: {  	vm0 =	vgt.s32 v4, $0x17F;
	v3 =	vadd.s32 v1, v3  }
0x56: {  	v4 =	vsel vm0, $0x17E, v4;
	vm0 =	vlt.s32 v3, $0x0  }
0x57: {  	v3 =	vsel vm0, $0x1, v3;
	v4 =	vsub.s32 v4, v0  }
0x58: {  	vm0 =	vgt.s32 v3, $0x17F;
	v4 =	vmul.u32 $0x180, v4  }
0x59: {  	v3 =	vsel vm0, $0x17E, v3  }
0x5a: {  	v3 =	vadd.s32 v3, v4;
	v4 =	vld [tilespmem:s26+$0x0]  }
0x5b: {  	[tilespmem:s26+$0xFFFFFFF0] =	vst v3  }
0x5c: {  	v3 =	vld [tilespmem:s28+$0x0];
	_ =	sdelay $0x2  }
0x5d: {  	v4 =	vadd.s32 v2, v4  }
0x5e: {  	s29 =	sadd.s32 $0xFFFFFFF0, s23;
	vm0 =	vlt.s32 v4, $0x0  }
0x5f: {  	v4 =	vsel vm0, $0x1, v4;
	v3 =	vadd.s32 s29, v3  }
0x60: {  	vm0 =	vgt.s32 v4, $0x17F;
	v3 =	vadd.s32 v1, v3  }
0x61: {  	v4 =	vsel vm0, $0x17E, v4;
	vm0 =	vlt.s32 v3, $0x0  }
0x62: {  	v3 =	vsel vm0, $0x1, v3;
	v4 =	vsub.s32 v4, v0  }
0x63: {  	vm0 =	vgt.s32 v3, $0x17F;
	v4 =	vmul.u32 $0x180, v4  }
0x64: {  	v3 =	vsel vm0, $0x17E, v3  }
0x65: {  	v3 =	vadd.s32 v3, v4;
	v4 =	vld [tilespmem:s26+$0x10]  }
0x66: {  	[tilespmem:s26+$0x0] =	vst v3  }
0x67: {  	v3 =	vld [tilespmem:s28+$0x10];
	_ =	sdelay $0x2  }
0x68: {  	v4 =	vadd.s32 v2, v4  }
0x69: {  	vm0 =	vlt.s32 v4, $0x0  }
0x6a: {  	v4 =	vsel vm0, $0x1, v4;
	v3 =	vadd.s32 s23, v3  }
.Ltmp0:
0x6b: {  	vm0 =	vgt.s32 v4, $0x17F;
	v3 =	vadd.s32 v1, v3;
	(pc) =	sbr.rel @p0 .LBB2_3-.Ltmp0, $4  }
0x6c: {  	v4 =	vsel vm0, $0x17E, v4;
	vm0 =	vlt.s32 v3, $0x0  }
0x6d: {  	v5 =	vsel vm0, $0x1, v3;
	v3 =	vsub.s32 v4, v0  }
0x6e: {  	vm0 =	vgt.s32 v5, $0x17F;
	v3 =	vmul.u32 $0x180, v3  }
0x6f: {  	s26 =	sadd.s32 $0x40, s26;
	v4 =	vsel vm0, $0x17E, v5  }
0x70: {  	s22 =	sadd.s32 $0x1, s22  }
0x71: {  	p0 =	sne.s32 s22, $0x30  }
.Ltmp1:
0x72: {  	_ = 	snop;
	(pc) =	sbr.rel @p0 .LBB2_2-.Ltmp1, $3  }
0x73: {  	_ =	sdelay $0x1  }
0x74: {  	v2 =	vadd.s32 v4, v3  }
0x75: {  	s20 =	sadd.s32 $0x180, s20;
	s21 =	sadd.s32 $0x180, s21;
	[tilespmem:s25+$0x10] =	vst v2  }
0x76: {  	s20 =	simm.s32 $0x0  }
.LBB2_6:
0x77: {  	s21 =	sadd.s32 s5, s20  }
0x78: {  	s21 =	sshrl.u32 s21, $0x3  }
0x79: {  	s21 =	smul.u32 $0x120000, s21  }
0x7a: {  	s22 =	sshll.u32 s20, $0x7  }
0x7b: {  	s22 =	sand.u32 $0x380, s22;
	s23 =	sadd.s32 s7, s21  }
0x7c: {  	s23 =	sor.u32 s22, s23  }
0x7d: {  	s23 =	sshrl.u32 s23, $0x3  }
0x7e: {  	s23 =	sadd.s32 s2, s23  }
0x7f: {  	[tilespmem:s17], [sflag:$0x1] =	stream.strided.gather [hbm4b:s23+s12], $0x4B00, s16, s12, $0x38;
	[tilespmem:$0x12300] =	vst v63  }
0x80: {  	_ =	swait.ge [sflag:s14], $0x4B00  }
0x81: {  	s24 =	simm.s32 $0xDB20;
	[sflag:s14] =	ssyncset.done $0x0  }
0x82: {  	s25 =	simm.s32 $0x20;
	s23 =	simm.s32 $0xFFFFFFFC;
	[sflag:s14] =	ssyncadd.s32 $0xFFFFB500  }
.LBB2_7:
0x83: {  	v2 =	vld [tilespmem:s25+$0xFFFFFFE0];
	_ =	sdelay $0x7  }
0x84: {  	v2 =	vld.idx.msk [tilespmem:v2+s17+$0x0], $0xffff;
	_ =	sdelay $0x4  }
0x85: {  	[tilespmem:s24+$0xFFFFFFE0] =	vst v2  }
0x86: {  	v2 =	vld [tilespmem:s25+$0xFFFFFFF0];
	_ =	sdelay $0x7  }
0x87: {  	v2 =	vld.idx.msk [tilespmem:v2+s17+$0x0], $0xffff;
	_ =	sdelay $0x4  }
0x88: {  	[tilespmem:s24+$0xFFFFFFF0] =	vst v2  }
0x89: {  	v2 =	vld [tilespmem:s25+$0x0];
	_ =	sdelay $0x7  }
0x8a: {  	v2 =	vld.idx.msk [tilespmem:v2+s17+$0x0], $0xffff;
	_ =	sdelay $0x4  }
0x8b: {  	[tilespmem:s24+$0x0] =	vst v2  }
0x8c: {  	v2 =	vld [tilespmem:s25+$0x10];
	_ =	sdelay $0x6  }
0x8d: {  	s23 =	sadd.s32 $0x4, s23  }
0x8e: {  	p0 =	slt.u32 s23, $0x47C;
	v2 =	vld.idx.msk [tilespmem:v2+s17+$0x0], $0xffff  }
.Ltmp2:
0x8f: {  	_ = 	snop;
	(pc) =	sbr.rel @p0 .LBB2_7-.Ltmp2, $2  }
0x90: {  	_ =	sdelay $0x2  }
0x91: {  	s25 =	sadd.s32 $0x40, s25;
	[tilespmem:s24+$0x10] =	vst v2;
	s24 =	sadd.s32 $0x40, s24  }
0x92: {  	s21 =	sadd.s32 s10, s21  }
0x93: {  	s20 =	sadd.s32 $0x1, s20;
	s21 =	sor.u32 s22, s21  }
0x94: {  	p0 =	sne.s32 s20, $0x60;
	s21 =	sshrl.u32 s21, $0x3  }
.Ltmp3:
0x95: {  	s21 =	sadd.s32 s6, s21;
	(pc) =	sbr.rel @p0 .LBB2_6-.Ltmp3, $4  }
0x96: {  	[hbm4b:s21+s12] =	stream.strided.scatter [tilespmem:s18], [sflag:$0x1], $0x4800, s16, s12, $0x38;
	[tilespmem:$0x12300] =	vst v63  }
0x97: {  	_ =	swait.ge [sflag:s14], $0x4800  }
0x98: {  	[sflag:s14] =	ssyncset.done $0x0  }
0x99: {  	[sflag:s14] =	ssyncadd.s32 $0xFFFFB800  }
0x9a: {  	s19 =	sadd.s32 $0x1, s19  }
0x9b: {  	p0 =	sne.s32 s19, s11  }
.Ltmp4:
0x9c: {  	_ = 	snop;
	(pc) =	sbr.rel @p0 .LBB2_1-.Ltmp4, $1  }
0x9d: {  	_ =	sdelay $0x3  }
0x9e: {  	_ =	sfence.sel $0x180000  }
0x9f: {  	[bflag:$0x0] =	sbarrier.arrive $0xFFFF  }
0xa0: {  	p0 =	sne.s32 s0, $0x0;
	_ =	strace $0x9000004A  }
0xa1: {  	s0 =	sadd.s32 @!p0 $0x100000, s1;
	[bflag:$0x2] =	sbarrier.arrive $0xFFFF  }
0xa2: {  	[sflag:s0] =	ssyncadd.tile.s32 @!p0 $0x1;
	_ =	shalt  }
.Lfunc_end2:
_tile_overlayer_lowered:
.L_overlay_start_2:
0xa3: {  	(tag) =	ssettag $0x2  }
0xa4: {  	s0 =	rddreg [dreg:$0x0];
	s2 =	stileid.u32  }
0xa5: {  	s1 =	rddreg [dreg:$0x1];
	p0 =	sne.s32 s2, $0x0  }
0xa6: {  	s3 =	rddreg [dreg:$0x2];
	[bflag:$0x3] =	sbarrier.arrive $0xFFFF;
	s2 =	simm.s32 @!p0 $0x1C01  }
0xa7: {  	[timem:s3], [sflag:s2] =	dma.local @!p0 [hbm:s0], s1  }
0xa8: {  	s0 =	simm.s32 @!p0 $0x1  }
0xa9: {  	_ =	swait.ge @!p0 [sflag:s0], s1  }
0xaa: {  	s1 =	ssub.s32 @!p0 $0x0, s1;
	[sflag:s0] =	ssyncset.done @!p0 $0x0  }
0xab: {  	[sflag:s0] =	ssyncadd.s32 @!p0 s1  }
0xac: {  	[bflag:$0x3] =	sbarrier.arrive $0xFFFF  }
0xad: {  	_ =	shalt  }

// kernel: sparse-core-data-format-call.1.cloned.1.call-start
scs
called_computation.1_lowered:
.L_overlay_start_0:
0x0: {  	s2 =	sld [smem:$0x3FD9]  }
0x1: {  	s3 =	sld [smem:$0x3FFE];
	_ =	sdelay $0x1  }
0x2: {  	s1 =	srdreg.scid  }
0x3: {  	s0 =	sand.u32 $0x1, s1  }
0x4: {  	s19 =	sshll.u32 s0, $0xA;
	s2 =	sadd.s32 s3, s2  }
0x5: {  	s2 =	sadd.s32 s2, s19  }
0x6: {  	[smem:$0x3FC7] =	sst s2  }
0x7: {  	_ = 	snop  }
0x8: {  	s2 =	sld [smem:$0x3FC9]  }
0x9: {  	s20 =	sld [smem:$0x3FD0];
	(tm) =	ssettm $0x1  }
0xa: {  	s4 =	sld [smem:$0x3FFB];
	_ =	sdelay $0x3  }
0xb: {  	_ =	strace s4  }
0xc: {  	s4 =	sld [smem:$0x3FFC];
	_ =	sdelay $0x3  }
0xd: {  	_ =	strace s4  }
0xe: {  	s4 =	sld [smem:$0x3FFD];
	_ =	sdelay $0x3  }
0xf: {  	_ =	strace s4  }
0x10: {  	_ =	strace $0x8FFFFFFF  }
0x11: {  	s21 =	sld [smem:$0x3FDB];
	_ =	sdelay $0x1  }
0x12: {  	s5 =	simm.s32 $_scs_section_size  }
0x13: {  	s6 =	simm.s32 $_size__tile_overlayer_lowered;
	s7 =	simm.s32 $_tile_overlayer_lowered  }
0x14: {  	s24 =	simm.s32 $0x1BFF;
	s23 =	sshll.u32 s7, $0x1;
	s4 =	sadd.s32 s5, s21  }
0x15: {  	s8 =	simm.s32 $0x0;
	s22 =	sshll.u32 s6, $0x1;
	s6 =	sadd.s32 s23, s4  }
0x16: {  	[timem:s8], [sflag:s24] =	dma.local [hbm:s6], s22  }
0x17: {  	_ =	swait.ge [sflag:s24], s22  }
0x18: {  	s5 =	ssub.s32 $0x0, s22;
	[sflag:s24] =	ssyncset.done $0x0  }
0x19: {  	[sflag:s24] =	ssyncadd.s32 s5;
	_ =	sdelay $0x1  }
0x1a: {  	s25 =	simm.s32 $0x1B8B  }
0x1b: {  	_ =	swait.ge [sflag:s25], $0x1  }
0x1c: {  	[sflag:s25] =	ssyncset.done $0x0  }
0x1d: {  	s26 =	simm.s32 $0x1B8E;
	[sflag:s25] =	ssyncadd.s32 $0xFFFFFFFF  }
0x1e: {  	s27 =	simm.s32 $execute0_lowered;
	[smem:$0x3FD2] =	sst s26  }
0x1f: {  	s5 =	sshll.u32 s27, $0x1;
	_ =	strace $0x80000046;
	[dreg:$0x1] =	wrdreg $0xFFFFFFFF  }
0x20: {  	s28 =	simm.s32 $_size_execute0_lowered;
	s4 =	sadd.s32 s4, s5;
	[dreg:$0x0] =	wrdreg $0x0  }
0x21: {  	s5 =	sshll.u32 s28, $0x1;
	[dreg:$0x2] =	wrdreg s4  }
0x22: {  	[dreg:$0x3] =	wrdreg s5  }
0x23: {  	[dreg:$0x4] =	wrdreg $0xC0  }
0x24: {  	_ =	task [dreg:s8], $0x5FFFF  }
0x25: {  	[dreg:$0x1] =	wrdreg $0xFFFFFFFF  }
0x26: {  	[dreg:$0x0] =	wrdreg $0x60  }
0x27: {  	[dreg:$0x2] =	wrdreg s2  }
0x28: {  	[dreg:$0x3] =	wrdreg s20  }
0x29: {  	[dreg:$0x4] =	wrdreg $0x9  }
0x2a: {  	_ =	task.clear_ibuf [dreg:s8], $0x5FFFF;
	_ =	strace $0x90000046  }
0x2b: {  	s29 =	simm.s32 $0x9;
	_ =	strace $0x80000048  }
0x2c: {  	_ =	swait.ge [sflag:s29], $0x1  }
0x2d: {  	[sflag:s29] =	ssyncadd.s32 $0xFFFFFFFF  }
0x2e: {  	_ =	strace $0x90000048  }
0x2f: {  	_ =	sfence  }
0x30: {  	s30 =	sld [smem:$0x0];
	_ =	sdelay $0x2  }
0x31: {  	s31 =	sshll.u32 s1, $0xD;
	s1 =	sshrl.u32 s1, $0x2  }
0x32: {  	s3 =	sand.u32 $0x4000, s31;
	s1 =	sadd.s32 s1, s30  }
0x33: {  	s0 =	sor.u32 s3, s0;
	s1 =	sshll.u32 s1, $0x11  }
0x34: {  	s0 =	sor.u32 s1, s0  }
0x35: {  	s0 =	sadd.s32 $0x8F2B, s0  }
0x36: {  	[sflag:s0] =	ssyncadd.remote.s32 $0x1  }
0x37: {  	_ =	sfence.sel $0xFFFF  }
0x38: {  	[dreg:$0x0] =	wrdreg $0xFFFFFFFF;
	(pc) =	sbr.abs _section_cstart, $3  }
0x39: {  	[dreg:$0x1] =	wrdreg $0xFFFFFFFF  }
0x3a: {  	_ =	task.clear_ibuf [dreg:s8], $0x2FFFF;
	_ =	strace $0x9FFFFFFF  }
0x3b: {  	(tm) =	ssettm $0x7FFFFFFF  }
tec
execute0_lowered:
.L_overlay_start_1:
0x0: {  	(tag) =	ssettag $0x1  }
0x1: {  	s2 =	rddreg [dreg:$0x0]  }
0x2: {  	s3 =	rddreg [dreg:$0x1]  }
0x3: {  	s0 =	rddreg [dreg:$0x2]  }
0x4: {  	s1 =	srdreg.scid;
	_ =	strace $0x80000047;
	s7 =	simm.s32 $0x2  }
0x5: {  	s15 =	simm.s32 $0x0;
	p0 =	por $0x0, $0x0;
	s13 =	simm.s32 $0x0  }
0x6: {  	s16 =	simm.s32 $0x0;
	s14 =	simm.s32 $0x0;
	s9 =	simm.s32 $0x0  }
.Ltmp0:
0x7: {  	s10 =	simm.s32 $0x0;
	s4 =	sshll.u32 s1, $0x4;
	(pc) =	sbr.rel .LBB1_1-.Ltmp0, $4  }
0x8: {  	s1 =	stileid.u32;
	s5 =	sand.u32 $0x10, s4;
	s4 =	simm.s32 $0x1  }
0x9: {  	s8 =	simm.s32 $0x0;
	s6 =	sor.u32 s1, s5;
	[sflag:s4] =	ssyncpa.u1 $0x0  }
0xa: {  	s5 =	sand.u32 $0x3, s1;
	s6 =	sshrl.u32 s6, $0x2;
	[sflag:s7] =	ssyncpa.u1 $0x0  }
0xb: {  	s7 =	simm.s32 $0xC00;
	s12 =	smov.u32 s5;
	s11 =	smov.u32 s6  }
.LBB1_5:
0xc: {  	s17 =	sadd.s32 $0x80, s9  }
0xd: {  	s13 =	sadd.s32 $0x80, s10;
	s18 =	smov.u32 s10;
	p2 =	sgt.s32 s17, $0x17F  }
0xe: {  	s18 =	smov.u32 @p2 s13  }
0xf: {  	s19 =	smov.u32 s11;
	s13 =	sadd.s32 $0x8, s11;
	p3 =	sgt.s32 s18, $0x17F  }
0x10: {  	s19 =	smov.u32 @p3 s13  }
0x11: {  	s20 =	smov.u32 s12;
	s13 =	sadd.s32 $0x4, s12;
	p4 =	sgt.s32 s19, $0x7  }
0x12: {  	p1 =	slt.u32 s8, $0x2;
	s20 =	smov.u32 @p4 s13  }
0x13: {  	s8 =	sadd.s32 $0x1, s8;
	s17 =	simm.s32 @p2 $0x0;
	p2 =	sgt.s32 s20, $0x2F  }
0x14: {  	s15 =	smov.u32 s9;
	s20 =	smov.u32 @p2 s5;
	p2 =	sne.s32 s8, $0x6E  }
.Ltmp1:
0x15: {  	s16 =	smov.u32 s11;
	s21 =	simm.s32 @!p1 $0x2;
	(pc) =	sbr.rel @!p2 .LBB1_6-.Ltmp1, $4  }
0x16: {  	s14 =	smov.u32 s12;
	p0 =	por !p0, !p0;
	_ =	swait.ge @!p1 [sflag:s21], $0x4000  }
0x17: {  	[sflag:s21] =	ssyncset.done @!p1 $0x0;
	s9 =	smov.u32 s17;
	s18 =	simm.s32 @p3 $0x0  }
0x18: {  	[sflag:s21] =	ssyncadd.s32 @!p1 $0xFFFFC000;
	s19 =	smov.u32 @p4 s6;
	s13 =	smov.u32 s10  }
0x19: {  	s10 =	smov.u32 s18;
	s11 =	smov.u32 s19;
	s12 =	smov.u32 s20  }
.LBB1_1:
0x1a: {  	p1 =	sgt.u32 s8, $0x6B  }
0x1b: {  	s17 =	sshrl.u32 @!p1 s10, $0x3  }
0x1c: {  	s18 =	sshll.u32 @!p1 s9, $0x3;
	s17 =	smul.u32 @!p1 $0xC00, s17  }
0x1d: {  	s19 =	sshll.u32 @!p1 s10, $0x7;
	s18 =	sand.u32 @!p1 $0xFFFFFC00, s18  }
0x1e: {  	s17 =	sadd.s32 @!p1 s17, s18;
	s18 =	sand.u32 @!p1 $0x380, s19  }
0x1f: {  	s19 =	sand.u32 @!p1 $0x7F, s9;
	s17 =	sor.u32 @!p1 s18, s17  }
0x20: {  	s18 =	sor.u32 @!p1 s19, s17;
	s17 =	smulhi.u32 @!p1 $0xAAAAAAAB, s17;
	_ =	sdelay $0x1  }
0x21: {  	s19 =	smulhi.u32 @!p1 $0xAAAAAAAB, s18;
	s17 =	sshrl.u32 @!p1 s17, $0x8  }
0x22: {  	s20 =	smulhi.u32 @!p1 $0xAAAAAB, s17  }
0x23: {  	s22 =	smul.u32 @!p1 $0x24000, s12  }
0x24: {  	s19 =	sshrl.u32 @!p1 s19, $0x8;
	s20 =	smul.u32 @!p1 $0x180, s20  }
0x25: {  	s21 =	sxor.u32 @!p1 $0xFFFFFFFF, s8;
	s19 =	smul.u32 @!p1 $0x180, s19  }
0x26: {  	s21 =	sshll.u32 @!p1 s21, $0xE;
	s17 =	ssub.s32 @!p1 s17, s20;
	s20 =	smul.u32 @!p1 $0x4800, s11  }
0x27: {  	s18 =	ssub.s32 @!p1 s18, s19;
	s19 =	sadd.s32 @!p1 s2, s22;
	s17 =	smul.u32 @!p1 $0x30, s17  }
0x28: {  	s21 =	sand.u32 @!p1 $0x4000, s21;
	s19 =	sadd.s32 @!p1 s20, s19;
	s20 =	sand.u32 @!p1 $0x7, s18  }
0x29: {  	s18 =	sshrl.u32 @!p1 s18, $0x3;
	s17 =	sadd.s32 @!p1 s17, s19;
	s19 =	sshll.u32 @!p1 s20, $0x12  }
0x2a: {  	s17 =	sadd.s32 @!p1 s18, s17;
	s18 =	sor.u32 @!p1 $0x400, s19;
	s19 =	simm.s32 @!p1 $0xC00  }
0x2b: {  	[tilespmem:s21], [sflag:$0x1] =	stream.strided.gather @!p1 [hbm4b:s17+s18], $0x4000, s19, s18, $0x38;
	[tilespmem:$0x10000] =	vst v63  }
0x2c: {  	p1 =	seq.s32 s8, $0x0  }
0x2d: {  	p2 =	seq.s32 @!p1 s8, $0x6D  }
0x2e: {  	p1 =	por p1, p2  }
.Ltmp2:
0x2f: {  	_ = 	snop;
	(pc) =	sbr.rel @p1 .LBB1_5-.Ltmp2, $1  }
0x30: {  	_ =	sdelay $0x3  }
0x31: {  	s17 =	simm.s32 $0x1  }
0x32: {  	s17 =	simm.s32 @!p0 $0x0  }
0x33: {  	s17 =	sshll.u32 s17, $0xE  }
0x34: {  	s18 =	sor.u32 $0x40, s17  }
0x35: {  	v1 =	vmov s18;
	_ =	sdelay $0x1  }
0x36: {  	_ =	swait.ge [sflag:s4], $0x4000  }
0x37: {  	[sflag:s4] =	ssyncset.done $0x0  }
0x38: {  	s19 =	simm.s32 $0x0;
	[sflag:s4] =	ssyncadd.s32 $0xFFFFC000  }
0x39: {  	s17 =	sor.u32 $0x8070, s17;
	v6 =	vld.idx.msk [tilespmem:v1+s19+$0x30 ss:$0x1], $0xffff  }
0x3a: {  	v0 =	vmov s17;
	v8 =	vld.idx.msk [tilespmem:v1+s19+$0xFFFFFFC0 ss:$0x1], $0xffff  }
0x3b: {  	v7 =	vld.idx.msk [tilespmem:v1+s19+$0xFFFFFFD0 ss:$0x1], $0xffff  }
0x3c: {  	v5 =	vld.idx.msk [tilespmem:v1+s19+$0xFFFFFFE0 ss:$0x1], $0xffff  }
0x3d: {  	v4 =	vld.idx.msk [tilespmem:v1+s19+$0xFFFFFFF0 ss:$0x1], $0xffff  }
0x3e: {  	s31 =	sshll.u32 s8, $0xE;
	v2 =	vld.idx.msk [tilespmem:v1+s19+$0x0 ss:$0x1], $0xffff  }
0x3f: {  	s17 =	sand.u32 $0x4000, s31;
	v3 =	vld.idx.msk [tilespmem:v1+s19+$0x10 ss:$0x1], $0xffff;
	[tilespmem:v0+s19+$0x0 ss:$0x1] =	vst.idx.msk $0xffff, v6  }
0x40: {  	s20 =	simm.s32 $0x400;
	s18 =	simm.s32 $0x80;
	s17 =	sor.u32 $0x8000, s17;
	[tilespmem:v0+s19+$0xFFFFFF90 ss:$0x1] =	vst.idx.msk $0xffff, v8;
	v6 =	vld.idx.msk [tilespmem:v1+s19+$0x20 ss:$0x1], $0xffff  }
.LBB1_3:
0x41: {  	p1 =	sne.s32 s20, $0xFE00;
	v8 =	vld.idx.msk [tilespmem:v1+s18+$0x30 ss:$0x1], $0xffff;
	[tilespmem:v0+s19+$0xFFFFFFA0 ss:$0x1] =	vst.idx.msk $0xffff, v7  }
0x42: {  	v9 =	vld.idx.msk [tilespmem:v1+s18+$0xFFFFFFC0 ss:$0x1], $0xffff;
	[tilespmem:v0+s19+$0xFFFFFFB0 ss:$0x1] =	vst.idx.msk $0xffff, v5  }
0x43: {  	v7 =	vld.idx.msk [tilespmem:v1+s18+$0xFFFFFFD0 ss:$0x1], $0xffff;
	[tilespmem:v0+s19+$0xFFFFFFC0 ss:$0x1] =	vst.idx.msk $0xffff, v4  }
.Ltmp3:
0x44: {  	v5 =	vld.idx.msk [tilespmem:v1+s18+$0xFFFFFFE0 ss:$0x1], $0xffff;
	[tilespmem:v0+s19+$0xFFFFFFD0 ss:$0x1] =	vst.idx.msk $0xffff, v2;
	(pc) =	sbr.rel @p1 .LBB1_3-.Ltmp3, $4  }
0x45: {  	v4 =	vld.idx.msk [tilespmem:v1+s18+$0xFFFFFFF0 ss:$0x1], $0xffff;
	[tilespmem:v0+s19+$0xFFFFFFE0 ss:$0x1] =	vst.idx.msk $0xffff, v3  }
0x46: {  	v2 =	vld.idx.msk [tilespmem:v1+s18+$0x0 ss:$0x1], $0xffff;
	[tilespmem:v0+s19+$0xFFFFFFF0 ss:$0x1] =	vst.idx.msk $0xffff, v6;
	s19 =	smov.u32 s18  }
0x47: {  	v3 =	vld.idx.msk [tilespmem:v1+s19+$0x10 ss:$0x1], $0xffff;
	[tilespmem:v0+s19+$0x0 ss:$0x1] =	vst.idx.msk $0xffff, v8  }
0x48: {  	s18 =	sshra.s32 s20, $0x2;
	s20 =	sadd.s32 $0x200, s20;
	[tilespmem:v0+s19+$0xFFFFFF90 ss:$0x1] =	vst.idx.msk $0xffff, v9;
	v6 =	vld.idx.msk [tilespmem:v1+s19+$0x20 ss:$0x1], $0xffff  }
0x49: {  	_ =	sdelay $0x2  }
0x4a: {  	s20 =	sshrl.u32 s16, $0x3  }
0x4b: {  	s21 =	sshll.u32 s15, $0x3;
	[tilespmem:v0+s19+$0xFFFFFFA0 ss:$0x1] =	vst.idx.msk $0xffff, v7;
	s20 =	smul.u32 $0xC00, s20  }
0x4c: {  	s27 =	sshll.u32 s16, $0x7;
	v56 =	vld.idx.msk [tilespmem:v1+s18+$0x30 ss:$0x1], $0xffff;
	[tilespmem:v0+s19+$0xFFFFFFB0 ss:$0x1] =	vst.idx.msk $0xffff, v5;
	s21 =	sand.u32 $0xFFFFFC00, s21  }
0x4d: {  	v57 =	vld.idx.msk [tilespmem:v1+s18+$0xFFFFFFC0 ss:$0x1], $0xffff;
	s16 =	sand.u32 $0x380, s27;
	[tilespmem:v0+s19+$0xFFFFFFC0 ss:$0x1] =	vst.idx.msk $0xffff, v4;
	s20 =	sadd.s32 s20, s21  }
0x4e: {  	s28 =	sand.u32 $0x7F, s15;
	v58 =	vld.idx.msk [tilespmem:v1+s18+$0xFFFFFFD0 ss:$0x1], $0xffff;
	[tilespmem:v0+s19+$0xFFFFFFD0 ss:$0x1] =	vst.idx.msk $0xffff, v2;
	s16 =	sor.u32 s16, s20  }
0x4f: {  	v59 =	vld.idx.msk [tilespmem:v1+s18+$0xFFFFFFE0 ss:$0x1], $0xffff;
	[tilespmem:v0+s19+$0xFFFFFFE0 ss:$0x1] =	vst.idx.msk $0xffff, v3;
	s15 =	sor.u32 s28, s16;
	s16 =	smulhi.u32 $0xAAAAAAAB, s16  }
0x50: {  	v60 =	vld.idx.msk [tilespmem:v1+s18+$0xFFFFFFF0 ss:$0x1], $0xffff;
	[tilespmem:v0+s19+$0xFFFFFFF0 ss:$0x1] =	vst.idx.msk $0xffff, v6;
	s29 =	smulhi.u32 $0xAAAAAAAB, s15  }
0x51: {  	v61 =	vld.idx.msk [tilespmem:v1+s18+$0x0 ss:$0x1], $0xffff;
	s14 =	smul.u32 $0x24000, s14;
	[tilespmem:v0+s18+$0x0 ss:$0x1] =	vst.idx.msk $0xffff, v56  }
0x52: {  	v62 =	vld.idx.msk [tilespmem:v1+s18+$0x10 ss:$0x1], $0xffff;
	s13 =	smul.u32 $0x180, s13;
	[tilespmem:v0+s18+$0xFFFFFF90 ss:$0x1] =	vst.idx.msk $0xffff, v57;
	s16 =	sshrl.u32 s16, $0x8;
	s30 =	sshrl.u32 s29, $0x8  }
0x53: {  	v63 =	vld.idx.msk [tilespmem:v1+s18+$0x20 ss:$0x1], $0xffff;
	[tilespmem:v0+s18+$0xFFFFFFA0 ss:$0x1] =	vst.idx.msk $0xffff, v58;
	s16 =	sand.u32 $0x7, s16;
	s19 =	smul.u32 $0x180, s30  }
0x54: {  	[tilespmem:v0+s18+$0xFFFFFFB0 ss:$0x1] =	vst.idx.msk $0xffff, v59;
	s16 =	smul.u32 $0x30, s16  }
.Ltmp4:
0x55: {  	s14 =	sadd.s32 s3, s14;
	[tilespmem:v0+s18+$0xFFFFFFC0 ss:$0x1] =	vst.idx.msk $0xffff, v60;
	s15 =	ssub.s32 s15, s19;
	(pc) =	sbr.rel .LBB1_5-.Ltmp4, $4  }
0x56: {  	s13 =	sadd.s32 s13, s14;
	[tilespmem:v0+s18+$0xFFFFFFD0 ss:$0x1] =	vst.idx.msk $0xffff, v61;
	s31 =	sand.u32 $0x7, s15  }
0x57: {  	[tilespmem:v0+s18+$0xFFFFFFE0 ss:$0x1] =	vst.idx.msk $0xffff, v62;
	s13 =	sadd.s32 s16, s13;
	s15 =	sshrl.u32 s15, $0x3;
	s14 =	sshll.u32 s31, $0x12  }
0x58: {  	[tilespmem:v0+s18+$0xFFFFFFF0 ss:$0x1] =	vst.idx.msk $0xffff, v63;
	s13 =	sadd.s32 s15, s13;
	s14 =	sor.u32 $0x80, s14  }
0x59: {  	[hbm4b:s13+s14] =	stream.strided.scatter [tilespmem:s17], [sflag:$0x2], $0x4000, s7, s14, $0x38;
	[tilespmem:$0x10000] =	vst v63  }
.LBB1_6:
0x5a: {  	_ =	sfence.sel $0x180000  }
0x5b: {  	s2 =	simm.s32 $0x1;
	[bflag:$0x0] =	sbarrier.arrive $0xFFFF  }
0x5c: {  	s31 =	simm.s32 $0x2;
	[sflag:s2] =	ssyncpa.u1 $0x1  }
0x5d: {  	[sflag:s31] =	ssyncpa.u1 $0x1  }
0x5e: {  	p0 =	sne.s32 s1, $0x0;
	_ =	strace $0x90000047  }
0x5f: {  	s0 =	sadd.s32 @!p0 $0x100000, s0;
	[bflag:$0x2] =	sbarrier.arrive $0xFFFF  }
0x60: {  	[sflag:s0] =	ssyncadd.tile.s32 @!p0 $0x1;
	_ =	shalt  }
.Lfunc_end1:
_tile_overlayer_lowered:
.L_overlay_start_2:
0x61: {  	(tag) =	ssettag $0x2  }
0x62: {  	s0 =	rddreg [dreg:$0x0];
	s2 =	stileid.u32  }
0x63: {  	s1 =	rddreg [dreg:$0x1];
	p0 =	sne.s32 s2, $0x0  }
0x64: {  	s3 =	rddreg [dreg:$0x2];
	[bflag:$0x3] =	sbarrier.arrive $0xFFFF;
	s2 =	simm.s32 @!p0 $0x1C01  }
0x65: {  	[timem:s3], [sflag:s2] =	dma.local @!p0 [hbm:s0], s1  }
0x66: {  	s0 =	simm.s32 @!p0 $0x1  }
0x67: {  	_ =	swait.ge @!p0 [sflag:s0], s1  }
0x68: {  	s1 =	ssub.s32 @!p0 $0x0, s1;
	[sflag:s0] =	ssyncset.done @!p0 $0x0  }
0x69: {  	[sflag:s0] =	ssyncadd.s32 @!p0 s1  }
0x6a: {  	[bflag:$0x3] =	sbarrier.arrive $0xFFFF  }
0x6b: {  	_ =	shalt  }

// kernel: sparse-core-data-format-call.cloned.1.call-start
scs
called_computation_lowered:
.L_overlay_start_0:
0x0: {  	s2 =	sld [smem:$0x3FD9]  }
0x1: {  	s3 =	sld [smem:$0x3FFE];
	_ =	sdelay $0x1  }
0x2: {  	s1 =	srdreg.scid  }
0x3: {  	s0 =	sand.u32 $0x1, s1  }
0x4: {  	s18 =	sshll.u32 s0, $0xA;
	s2 =	sadd.s32 s3, s2  }
0x5: {  	s2 =	sadd.s32 s2, s18  }
0x6: {  	[smem:$0x3FC7] =	sst s2  }
0x7: {  	_ = 	snop  }
0x8: {  	s2 =	sld [smem:$0x3FD0];
	(tm) =	ssettm $0x1  }
0x9: {  	s19 =	sld [smem:$0x3FFB];
	_ =	sdelay $0x3  }
0xa: {  	_ =	strace s19  }
0xb: {  	s3 =	sld [smem:$0x3FFC];
	_ =	sdelay $0x3  }
0xc: {  	_ =	strace s3  }
0xd: {  	s3 =	sld [smem:$0x3FFD];
	_ =	sdelay $0x3  }
0xe: {  	_ =	strace s3  }
0xf: {  	_ =	strace $0x8FFFFFFF  }
0x10: {  	s20 =	sld [smem:$0x3FDB];
	_ =	sdelay $0x1  }
0x11: {  	s4 =	simm.s32 $_scs_section_size  }
0x12: {  	s5 =	simm.s32 $_size__tile_overlayer_lowered;
	s6 =	simm.s32 $_tile_overlayer_lowered  }
0x13: {  	s23 =	simm.s32 $0x1BFF;
	s22 =	sshll.u32 s6, $0x1;
	s3 =	sadd.s32 s4, s20  }
0x14: {  	s7 =	simm.s32 $0x0;
	s21 =	sshll.u32 s5, $0x1;
	s5 =	sadd.s32 s22, s3  }
0x15: {  	[timem:s7], [sflag:s23] =	dma.local [hbm:s5], s21  }
0x16: {  	_ =	swait.ge [sflag:s23], s21  }
0x17: {  	s4 =	ssub.s32 $0x0, s21;
	[sflag:s23] =	ssyncset.done $0x0  }
0x18: {  	[sflag:s23] =	ssyncadd.s32 s4;
	_ =	sdelay $0x1  }
0x19: {  	s24 =	simm.s32 $0x1B8B  }
0x1a: {  	_ =	swait.ge [sflag:s24], $0x1  }
0x1b: {  	[sflag:s24] =	ssyncset.done $0x0  }
0x1c: {  	s26 =	simm.s32 $0x1B8E;
	s25 =	sld [smem:$0x3FFE];
	[sflag:s24] =	ssyncadd.s32 $0xFFFFFFFF  }
0x1d: {  	s27 =	simm.s32 $execute0_lowered;
	[smem:$0x3FD2] =	sst s26  }
0x1e: {  	s5 =	sshll.u32 s27, $0x1;
	_ =	strace $0x8000004C;
	[dreg:$0x1] =	wrdreg $0xFFFFFFFF  }
0x1f: {  	s28 =	simm.s32 $_size_execute0_lowered;
	s3 =	sadd.s32 s3, s5;
	[dreg:$0x0] =	wrdreg $0x0  }
0x20: {  	s5 =	sshll.u32 s28, $0x1;
	[dreg:$0x2] =	wrdreg s3  }
0x21: {  	[dreg:$0x3] =	wrdreg s5  }
0x22: {  	[dreg:$0x4] =	wrdreg $0xC0  }
0x23: {  	_ =	task [dreg:s7], $0x5FFFF  }
0x24: {  	[dreg:$0x1] =	wrdreg $0xFFFFFFFF  }
0x25: {  	[dreg:$0x0] =	wrdreg $0x60  }
0x26: {  	[dreg:$0x2] =	wrdreg s25  }
0x27: {  	[dreg:$0x3] =	wrdreg s2  }
0x28: {  	[dreg:$0x4] =	wrdreg $0x9  }
0x29: {  	_ =	task.clear_ibuf [dreg:s7], $0x5FFFF;
	_ =	strace $0x9000004C  }
0x2a: {  	s29 =	simm.s32 $0x9;
	_ =	strace $0x8000004E  }
0x2b: {  	_ =	swait.ge [sflag:s29], $0x1  }
0x2c: {  	[sflag:s29] =	ssyncadd.s32 $0xFFFFFFFF  }
0x2d: {  	_ =	strace $0x9000004E  }
0x2e: {  	_ =	sfence  }
0x2f: {  	s30 =	sld [smem:$0x0];
	_ =	sdelay $0x2  }
0x30: {  	s31 =	sshll.u32 s1, $0xD;
	s1 =	sshrl.u32 s1, $0x2  }
0x31: {  	s3 =	sand.u32 $0x4000, s31;
	s1 =	sadd.s32 s1, s30  }
0x32: {  	s0 =	sor.u32 s3, s0;
	s1 =	sshll.u32 s1, $0x11  }
0x33: {  	s0 =	sor.u32 s1, s0  }
0x34: {  	s0 =	sadd.s32 $0x8F2B, s0  }
0x35: {  	[sflag:s0] =	ssyncadd.remote.s32 $0x1  }
0x36: {  	_ =	sfence.sel $0xFFFF  }
0x37: {  	[dreg:$0x0] =	wrdreg $0xFFFFFFFF;
	(pc) =	sbr.abs _section_cstart, $3  }
0x38: {  	[dreg:$0x1] =	wrdreg $0xFFFFFFFF  }
0x39: {  	_ =	task.clear_ibuf [dreg:s7], $0x2FFFF;
	_ =	strace $0x9FFFFFFF  }
0x3a: {  	(tm) =	ssettm $0x7FFFFFFF  }
0x3b: {  	_ =	shalt  }
tec
execute0_lowered:
.L_overlay_start_1:
0x0: {  	(tag) =	ssettag $0x1  }
0x1: {  	s1 =	rddreg [dreg:$0x0]  }
0x2: {  	s2 =	rddreg [dreg:$0x1]  }
0x3: {  	s0 =	rddreg [dreg:$0x2];
	s4 =	srdreg.scid  }
0x4: {  	_ =	strace $0x8000004D;
	s7 =	simm.s32 $0x2;
	s15 =	simm.s32 $0x0  }
0x5: {  	p0 =	por $0x0, $0x0;
	s13 =	simm.s32 $0x0;
	s16 =	simm.s32 $0x0  }
0x6: {  	s14 =	simm.s32 $0x0;
	s9 =	simm.s32 $0x0;
	s11 =	simm.s32 $0x0  }
.Ltmp0:
0x7: {  	s3 =	sadd.s32 $0x26600, s1;
	s4 =	sshll.u32 s4, $0x4;
	(pc) =	sbr.rel .LBB1_1-.Ltmp0, $4  }
0x8: {  	s1 =	stileid.u32;
	s5 =	sand.u32 $0x10, s4;
	s4 =	simm.s32 $0x1  }
0x9: {  	s8 =	simm.s32 $0x0;
	s6 =	sor.u32 s1, s5;
	[sflag:s4] =	ssyncpa.u1 $0x0  }
0xa: {  	s5 =	sand.u32 $0x3, s1;
	s6 =	sshrl.u32 s6, $0x2;
	[sflag:s7] =	ssyncpa.u1 $0x0  }
0xb: {  	s7 =	simm.s32 $0xC00;
	s12 =	smov.u32 s5;
	s10 =	smov.u32 s6  }
.LBB1_5:
0xc: {  	s17 =	sadd.s32 $0x80, s9  }
0xd: {  	s13 =	sadd.s32 $0x8, s10;
	s18 =	smov.u32 s10;
	p2 =	sgt.s32 s17, $0x17F  }
0xe: {  	s18 =	smov.u32 @p2 s13  }
0xf: {  	s19 =	smov.u32 s11;
	s13 =	sadd.s32 $0x80, s11;
	p3 =	sgt.s32 s18, $0x7  }
0x10: {  	s19 =	smov.u32 @p3 s13  }
0x11: {  	s20 =	smov.u32 s12;
	s13 =	sadd.s32 $0x4, s12;
	p4 =	sgt.s32 s19, $0x17F  }
0x12: {  	p1 =	slt.u32 s8, $0x2;
	s20 =	smov.u32 @p4 s13  }
0x13: {  	s8 =	sadd.s32 $0x1, s8;
	s17 =	simm.s32 @p2 $0x0;
	p2 =	sgt.s32 s20, $0x2F  }
0x14: {  	s15 =	smov.u32 s9;
	s20 =	smov.u32 @p2 s5;
	p2 =	sne.s32 s8, $0x6E  }
.Ltmp1:
0x15: {  	s16 =	smov.u32 s11;
	s21 =	simm.s32 @!p1 $0x2;
	(pc) =	sbr.rel @!p2 .LBB1_6-.Ltmp1, $4  }
0x16: {  	s14 =	smov.u32 s12;
	p0 =	por !p0, !p0;
	_ =	swait.ge @!p1 [sflag:s21], $0x4000  }
0x17: {  	[sflag:s21] =	ssyncset.done @!p1 $0x0;
	s9 =	smov.u32 s17;
	s18 =	smov.u32 @p3 s6  }
0x18: {  	[sflag:s21] =	ssyncadd.s32 @!p1 $0xFFFFC000;
	s19 =	simm.s32 @p4 $0x0;
	s13 =	smov.u32 s10  }
0x19: {  	s10 =	smov.u32 s18;
	s11 =	smov.u32 s19;
	s12 =	smov.u32 s20  }
.LBB1_1:
0x1a: {  	p1 =	sgt.u32 s8, $0x6B  }
0x1b: {  	s17 =	sshrl.u32 @!p1 s10, $0x3  }
0x1c: {  	s18 =	sshll.u32 @!p1 s9, $0x3;
	s17 =	smul.u32 @!p1 $0xC00, s17  }
0x1d: {  	s19 =	sshll.u32 @!p1 s10, $0x7;
	s18 =	sand.u32 @!p1 $0xFFFFFC00, s18  }
0x1e: {  	s17 =	sadd.s32 @!p1 s17, s18;
	s18 =	sand.u32 @!p1 $0x380, s19  }
0x1f: {  	s19 =	sand.u32 @!p1 $0x7F, s9;
	s17 =	sor.u32 @!p1 s18, s17  }
0x20: {  	s18 =	sor.u32 @!p1 s19, s17  }
0x21: {  	s19 =	smulhi.u32 @!p1 $0xAAAAAAAB, s18  }
0x22: {  	s17 =	smulhi.u32 @!p1 $0xAAAAAAAB, s17  }
0x23: {  	s21 =	smul.u32 @!p1 $0x24000, s12;
	s19 =	sshrl.u32 @!p1 s19, $0x8  }
0x24: {  	s20 =	sxor.u32 @!p1 $0xFFFFFFFF, s8;
	s17 =	sshrl.u32 @!p1 s17, $0x8;
	s19 =	smul.u32 @!p1 $0x180, s19  }
0x25: {  	s22 =	smul.u32 @!p1 $0x180, s11;
	s20 =	sshll.u32 @!p1 s20, $0xE;
	s17 =	sand.u32 @!p1 $0x7, s17  }
0x26: {  	s17 =	smul.u32 @!p1 $0x30, s17;
	s18 =	ssub.s32 @!p1 s18, s19;
	s19 =	sadd.s32 @!p1 s3, s21  }
0x27: {  	s20 =	sand.u32 @!p1 $0x4000, s20;
	s19 =	sadd.s32 @!p1 s22, s19;
	s21 =	sand.u32 @!p1 $0x7, s18  }
0x28: {  	s18 =	sshrl.u32 @!p1 s18, $0x3;
	s17 =	sadd.s32 @!p1 s17, s19;
	s19 =	sshll.u32 @!p1 s21, $0x12  }
0x29: {  	s17 =	sadd.s32 @!p1 s18, s17;
	s18 =	sor.u32 @!p1 $0x80, s19;
	s19 =	simm.s32 @!p1 $0xC00  }
0x2a: {  	[tilespmem:s20], [sflag:$0x1] =	stream.strided.gather @!p1 [hbm4b:s17+s18], $0x4000, s19, s18, $0x38;
	[tilespmem:$0x10000] =	vst v63  }
0x2b: {  	p1 =	seq.s32 s8, $0x0  }
0x2c: {  	p2 =	seq.s32 @!p1 s8, $0x6D  }
0x2d: {  	p1 =	por p1, p2  }
.Ltmp2:
0x2e: {  	_ = 	snop;
	(pc) =	sbr.rel @p1 .LBB1_5-.Ltmp2, $1  }
0x2f: {  	_ =	sdelay $0x3  }
0x30: {  	s17 =	simm.s32 $0x1  }
0x31: {  	s17 =	simm.s32 @!p0 $0x0  }
0x32: {  	s17 =	sshll.u32 s17, $0xE  }
0x33: {  	s18 =	sor.u32 $0x70, s17  }
0x34: {  	v1 =	vmov s18;
	_ =	sdelay $0x1  }
0x35: {  	_ =	swait.ge [sflag:s4], $0x4000  }
0x36: {  	[sflag:s4] =	ssyncset.done $0x0  }
0x37: {  	s19 =	simm.s32 $0x0;
	[sflag:s4] =	ssyncadd.s32 $0xFFFFC000  }
0x38: {  	s17 =	sor.u32 $0x8040, s17;
	v6 =	vld.idx.msk [tilespmem:v1+s19+$0x0 ss:$0x1], $0xffff  }
0x39: {  	v0 =	vmov s17;
	v8 =	vld.idx.msk [tilespmem:v1+s19+$0xFFFFFF90 ss:$0x1], $0xffff  }
0x3a: {  	v7 =	vld.idx.msk [tilespmem:v1+s19+$0xFFFFFFA0 ss:$0x1], $0xffff  }
0x3b: {  	v5 =	vld.idx.msk [tilespmem:v1+s19+$0xFFFFFFB0 ss:$0x1], $0xffff  }
0x3c: {  	v4 =	vld.idx.msk [tilespmem:v1+s19+$0xFFFFFFC0 ss:$0x1], $0xffff  }
0x3d: {  	s31 =	sshll.u32 s8, $0xE;
	v2 =	vld.idx.msk [tilespmem:v1+s19+$0xFFFFFFD0 ss:$0x1], $0xffff  }
0x3e: {  	s17 =	sand.u32 $0x4000, s31;
	v3 =	vld.idx.msk [tilespmem:v1+s19+$0xFFFFFFE0 ss:$0x1], $0xffff;
	[tilespmem:v0+s19+$0x30 ss:$0x1] =	vst.idx.msk $0xffff, v6  }
0x3f: {  	s20 =	simm.s32 $0x400;
	s18 =	simm.s32 $0x80;
	s17 =	sor.u32 $0x8000, s17;
	[tilespmem:v0+s19+$0xFFFFFFC0 ss:$0x1] =	vst.idx.msk $0xffff, v8;
	v6 =	vld.idx.msk [tilespmem:v1+s19+$0xFFFFFFF0 ss:$0x1], $0xffff  }
.LBB1_3:
0x40: {  	p1 =	sne.s32 s20, $0xFE00;
	v8 =	vld.idx.msk [tilespmem:v1+s18+$0x0 ss:$0x1], $0xffff;
	[tilespmem:v0+s19+$0xFFFFFFD0 ss:$0x1] =	vst.idx.msk $0xffff, v7  }
0x41: {  	v9 =	vld.idx.msk [tilespmem:v1+s18+$0xFFFFFF90 ss:$0x1], $0xffff;
	[tilespmem:v0+s19+$0xFFFFFFE0 ss:$0x1] =	vst.idx.msk $0xffff, v5  }
0x42: {  	v7 =	vld.idx.msk [tilespmem:v1+s18+$0xFFFFFFA0 ss:$0x1], $0xffff;
	[tilespmem:v0+s19+$0xFFFFFFF0 ss:$0x1] =	vst.idx.msk $0xffff, v4  }
.Ltmp3:
0x43: {  	v5 =	vld.idx.msk [tilespmem:v1+s18+$0xFFFFFFB0 ss:$0x1], $0xffff;
	[tilespmem:v0+s19+$0x0 ss:$0x1] =	vst.idx.msk $0xffff, v2;
	(pc) =	sbr.rel @p1 .LBB1_3-.Ltmp3, $4  }
0x44: {  	v4 =	vld.idx.msk [tilespmem:v1+s18+$0xFFFFFFC0 ss:$0x1], $0xffff;
	[tilespmem:v0+s19+$0x10 ss:$0x1] =	vst.idx.msk $0xffff, v3  }
0x45: {  	v2 =	vld.idx.msk [tilespmem:v1+s18+$0xFFFFFFD0 ss:$0x1], $0xffff;
	[tilespmem:v0+s19+$0x20 ss:$0x1] =	vst.idx.msk $0xffff, v6;
	s19 =	smov.u32 s18  }
0x46: {  	v3 =	vld.idx.msk [tilespmem:v1+s19+$0xFFFFFFE0 ss:$0x1], $0xffff;
	[tilespmem:v0+s19+$0x30 ss:$0x1] =	vst.idx.msk $0xffff, v8  }
0x47: {  	s18 =	sshra.s32 s20, $0x2;
	s20 =	sadd.s32 $0x200, s20;
	[tilespmem:v0+s19+$0xFFFFFFC0 ss:$0x1] =	vst.idx.msk $0xffff, v9;
	v6 =	vld.idx.msk [tilespmem:v1+s19+$0xFFFFFFF0 ss:$0x1], $0xffff  }
0x48: {  	s20 =	sshrl.u32 s16, $0x3  }
0x49: {  	s21 =	sshll.u32 s15, $0x3;
	s20 =	smul.u32 $0xC00, s20  }
0x4a: {  	s26 =	sshll.u32 s16, $0x7;
	s21 =	sand.u32 $0xFFFFFC00, s21  }
0x4b: {  	s16 =	sand.u32 $0x380, s26;
	s20 =	sadd.s32 s20, s21  }
0x4c: {  	[tilespmem:v0+s19+$0xFFFFFFD0 ss:$0x1] =	vst.idx.msk $0xffff, v7;
	s27 =	sand.u32 $0x7F, s15;
	s16 =	sor.u32 s16, s20  }
0x4d: {  	v56 =	vld.idx.msk [tilespmem:v1+s18+$0x0 ss:$0x1], $0xffff;
	[tilespmem:v0+s19+$0xFFFFFFE0 ss:$0x1] =	vst.idx.msk $0xffff, v5;
	s15 =	sor.u32 s27, s16;
	s16 =	smulhi.u32 $0xAAAAAAAB, s16  }
0x4e: {  	v57 =	vld.idx.msk [tilespmem:v1+s18+$0xFFFFFF90 ss:$0x1], $0xffff;
	[tilespmem:v0+s19+$0xFFFFFFF0 ss:$0x1] =	vst.idx.msk $0xffff, v4  }
0x4f: {  	v58 =	vld.idx.msk [tilespmem:v1+s18+$0xFFFFFFA0 ss:$0x1], $0xffff;
	s14 =	smul.u32 $0x24000, s14;
	[tilespmem:v0+s19+$0x0 ss:$0x1] =	vst.idx.msk $0xffff, v2;
	s16 =	sshrl.u32 s16, $0x8  }
0x50: {  	v59 =	vld.idx.msk [tilespmem:v1+s18+$0xFFFFFFB0 ss:$0x1], $0xffff;
	[tilespmem:v0+s19+$0x10 ss:$0x1] =	vst.idx.msk $0xffff, v3;
	s30 =	smulhi.u32 $0xAAAAAB, s16  }
0x51: {  	v60 =	vld.idx.msk [tilespmem:v1+s18+$0xFFFFFFC0 ss:$0x1], $0xffff;
	[tilespmem:v0+s19+$0x20 ss:$0x1] =	vst.idx.msk $0xffff, v6;
	s28 =	smulhi.u32 $0xAAAAAAAB, s15  }
0x52: {  	v61 =	vld.idx.msk [tilespmem:v1+s18+$0xFFFFFFD0 ss:$0x1], $0xffff;
	[tilespmem:v0+s18+$0x30 ss:$0x1] =	vst.idx.msk $0xffff, v56;
	s20 =	smul.u32 $0x180, s30  }
0x53: {  	v62 =	vld.idx.msk [tilespmem:v1+s18+$0xFFFFFFE0 ss:$0x1], $0xffff;
	s13 =	smul.u32 $0x4800, s13;
	[tilespmem:v0+s18+$0xFFFFFFC0 ss:$0x1] =	vst.idx.msk $0xffff, v57;
	s29 =	sshrl.u32 s28, $0x8  }
0x54: {  	v63 =	vld.idx.msk [tilespmem:v1+s18+$0xFFFFFFF0 ss:$0x1], $0xffff;
	[tilespmem:v0+s18+$0xFFFFFFD0 ss:$0x1] =	vst.idx.msk $0xffff, v58;
	s19 =	smul.u32 $0x180, s29;
	s16 =	ssub.s32 s16, s20  }
0x55: {  	[tilespmem:v0+s18+$0xFFFFFFE0 ss:$0x1] =	vst.idx.msk $0xffff, v59;
	s16 =	smul.u32 $0x30, s16  }
.Ltmp4:
0x56: {  	s14 =	sadd.s32 s2, s14;
	[tilespmem:v0+s18+$0xFFFFFFF0 ss:$0x1] =	vst.idx.msk $0xffff, v60;
	s15 =	ssub.s32 s15, s19;
	(pc) =	sbr.rel .LBB1_5-.Ltmp4, $4  }
0x57: {  	s13 =	sadd.s32 s13, s14;
	[tilespmem:v0+s18+$0x0 ss:$0x1] =	vst.idx.msk $0xffff, v61;
	s31 =	sand.u32 $0x7, s15  }
0x58: {  	[tilespmem:v0+s18+$0x10 ss:$0x1] =	vst.idx.msk $0xffff, v62;
	s15 =	sshrl.u32 s15, $0x3;
	s14 =	sshll.u32 s31, $0x12;
	s13 =	sadd.s32 s16, s13  }
0x59: {  	[tilespmem:v0+s18+$0x20 ss:$0x1] =	vst.idx.msk $0xffff, v63;
	s14 =	sor.u32 $0x400, s14;
	s13 =	sadd.s32 s15, s13  }
0x5a: {  	[hbm4b:s13+s14] =	stream.strided.scatter [tilespmem:s17], [sflag:$0x2], $0x4000, s7, s14, $0x38;
	[tilespmem:$0x10000] =	vst v63  }
.LBB1_6:
0x5b: {  	_ =	sfence.sel $0x180000  }
0x5c: {  	s2 =	simm.s32 $0x1;
	[bflag:$0x0] =	sbarrier.arrive $0xFFFF  }
0x5d: {  	s31 =	simm.s32 $0x2;
	[sflag:s2] =	ssyncpa.u1 $0x1  }
0x5e: {  	[sflag:s31] =	ssyncpa.u1 $0x1  }
0x5f: {  	p0 =	sne.s32 s1, $0x0;
	_ =	strace $0x9000004D  }
0x60: {  	s0 =	sadd.s32 @!p0 $0x100000, s0;
	[bflag:$0x2] =	sbarrier.arrive $0xFFFF  }
0x61: {  	[sflag:s0] =	ssyncadd.tile.s32 @!p0 $0x1;
	_ =	shalt  }
.Lfunc_end1:
_tile_overlayer_lowered:
.L_overlay_start_2:
0x62: {  	(tag) =	ssettag $0x2  }
0x63: {  	s0 =	rddreg [dreg:$0x0];
	s2 =	stileid.u32  }
0x64: {  	s1 =	rddreg [dreg:$0x1];
	p0 =	sne.s32 s2, $0x0  }
0x65: {  	s3 =	rddreg [dreg:$0x2];
	[bflag:$0x3] =	sbarrier.arrive $0xFFFF;
	s2 =	simm.s32 @!p0 $0x1C01  }
0x66: {  	[timem:s3], [sflag:s2] =	dma.local @!p0 [hbm:s0], s1  }
0x67: {  	s0 =	simm.s32 @!p0 $0x1  }
0x68: {  	_ =	swait.ge @!p0 [sflag:s0], s1  }
0x69: {  	s1 =	ssub.s32 @!p0 $0x0, s1;
	[sflag:s0] =	ssyncset.done @!p0 $0x0  }
0x6a: {  	[sflag:s0] =	ssyncadd.s32 @!p0 s1  }
0x6b: {  	[bflag:$0x3] =	sbarrier.arrive $0xFFFF  }
0x6c: {  	_ =	shalt  }

</sc_bundles>
